<compile_context>
chip_gen: v7x
topology: tpu7x:2x2x1
jax: 0.10.2.dev20260603
libtpu: 0.0.44.dev20260713+nightly
codegen_flags: <defaults>
</compile_context>

<pallas_src>
import functools

import jax
import jax.numpy as jnp
from jax import lax
from jax.experimental import pallas as pl
from jax.experimental.pallas import tpu as pltpu
from jax.experimental.pallas import tpu_sc as plsc

N = 10000
NPAD = 10240
D = 128
E = 320000
NC = 2
NS = 16
L = 16
NW = NC * NS
BLK = 128
NBLK = E // BLK
ROWS_PER_SUB = NPAD // NS
ZR = 128
SEG = 1024
_GRID = NPAD // SEG


@functools.cache
def _mesh():
    return plsc.VectorSubcoreMesh(core_axis_name="c", subcore_axis_name="s",
                                  num_cores=NC, num_subcores=NS)


def _edge_loop(w, body):
    nj = jnp.int32(NBLK // NW) + (w < NBLK % NW).astype(jnp.int32)
    def wrapped(j, _):
        body(j)
        return 0
    lax.fori_loop(0, nj, wrapped, 0)


def _zero_acc(zeros_hbm, zb, acc, s):
    pltpu.sync_copy(zeros_hbm, zb)
    for j in range(ROWS_PER_SUB // ZR):
        pltpu.sync_copy(zb, acc.at[pl.ds(s * ROWS_PER_SUB + j * ZR, ZR)])


def _write_partial(out_hbm, zb, acc, c, s):
    for j in range(ROWS_PER_SUB // ZR):
        pltpu.sync_copy(acc.at[pl.ds(s * ROWS_PER_SUB + j * ZR, ZR)], zb)
        pltpu.sync_copy(
            zb, out_hbm.at[pl.ds(c * NPAD + s * ROWS_PER_SUB + j * ZR, ZR)])


@functools.cache
def _sc_count_fn():
    return functools.partial(
        pl.kernel,
        out_type=jax.ShapeDtypeStruct((NC * NPAD, D), jnp.float32),
        mesh=_mesh(),
        scratch_types=[
            pltpu.VMEM((BLK,), jnp.int32),
            pltpu.VMEM((BLK, D), jnp.float32),
            pltpu.VMEM((ZR, D), jnp.float32),
            pltpu.VMEM_SHARED((NPAD, D), jnp.float32),
        ],
    )(_sc_count)


def _sc_count(zeros_hbm, ones_hbm, dst_hbm, out_hbm, didx, rows, zb, acc):
    c = lax.axis_index("c")
    s = lax.axis_index("s")
    w = s * NC + c

    _zero_acc(zeros_hbm, zb, acc, s)
    pltpu.sync_copy(ones_hbm, rows)
    plsc.subcore_barrier()

    def blk(j):
        base = (w + j * NW) * BLK
        pltpu.sync_copy(dst_hbm.at[pl.ds(base, BLK)], didx)
        pltpu.sync_copy(rows, acc.at[didx], add=True)
    _edge_loop(w, blk)
    plsc.subcore_barrier()
    _write_partial(out_hbm, zb, acc, c, s)


@functools.cache
def _sc_aggregate_fn():
    return functools.partial(
        pl.kernel,
        out_type=jax.ShapeDtypeStruct((NC * NPAD, D), jnp.float32),
        mesh=_mesh(),
        scratch_types=[
            pltpu.VMEM((2, BLK), jnp.int32),
            pltpu.VMEM((BLK, D), jnp.float32),
            pltpu.VMEM((ZR, D), jnp.float32),
            pltpu.VMEM_SHARED((NPAD, D), jnp.float32),
            pltpu.SemaphoreType.DMA,
        ],
    )(_sc_aggregate)


def _sc_aggregate(zeros_hbm, sd_hbm, hp_hbm, out_hbm,
                  sd, rows, zb, acc, sem):
    c = lax.axis_index("c")
    s = lax.axis_index("s")
    w = s * NC + c

    _zero_acc(zeros_hbm, zb, acc, s)
    plsc.subcore_barrier()

    def blk(j):
        bid = w + j * NW
        pltpu.sync_copy(sd_hbm.at[pl.ds(2 * bid, 2)], sd)
        pltpu.async_copy(hp_hbm.at[sd.at[0]], rows, sem).wait()
        pltpu.sync_copy(rows, acc.at[sd.at[1]], add=True)
    _edge_loop(w, blk)
    plsc.subcore_barrier()
    _write_partial(out_hbm, zb, acc, c, s)


def _tc1_body(x_ref, w_ref, degp_ref, hp_ref, dis_ref):
    deg = degp_ref[0, :, 0:1] + degp_ref[1, :, 0:1] + 1.0
    dis = lax.rsqrt(deg)
    h = jnp.dot(x_ref[...], w_ref[...], preferred_element_type=jnp.float32)
    hp_ref[...] = h * dis
    dis_ref[...] = jnp.broadcast_to(dis, (SEG, D))


def _tc2_body(p_ref, hp1_ref, dis_ref, b_ref, w_ref, hp2_ref):
    dis = dis_ref[:, 0:1]
    agg = p_ref[0] + p_ref[1] + hp1_ref[...]
    h2 = jnp.maximum(agg * dis + b_ref[...], 0.0)
    hp2_ref[...] = jnp.dot(h2, w_ref[...],
                           preferred_element_type=jnp.float32) * dis


def _tc3_body(q_ref, hp2_ref, dis_ref, b_ref, out_ref):
    dis = dis_ref[:, 0:1]
    agg = q_ref[0] + q_ref[1] + hp2_ref[...]
    out_ref[...] = agg * dis + b_ref[...]


_ROW2 = pl.BlockSpec((SEG, D), lambda i: (i, 0))
_ROW3 = pl.BlockSpec((NC, SEG, D), lambda i: (0, i, 0))
_W_SPEC = pl.BlockSpec((D, D), lambda i: (0, 0))
_B_SPEC = pl.BlockSpec((1, D), lambda i: (0, 0))
_SDS = jax.ShapeDtypeStruct((NPAD, D), jnp.float32)

_tc1 = pl.pallas_call(
    _tc1_body, grid=(_GRID,),
    in_specs=[_ROW2, _W_SPEC, _ROW3],
    out_specs=[_ROW2, _ROW2], out_shape=[_SDS, _SDS])

_tc2 = pl.pallas_call(
    _tc2_body, grid=(_GRID,),
    in_specs=[_ROW3, _ROW2, _ROW2, _B_SPEC, _W_SPEC],
    out_specs=_ROW2, out_shape=_SDS)

_tc3 = pl.pallas_call(
    _tc3_body, grid=(_GRID,),
    in_specs=[_ROW3, _ROW2, _ROW2, _B_SPEC],
    out_specs=_ROW2, out_shape=_SDS)


def kernel(x, edge_index, W1, b1, W2, b2):
    src = edge_index[0].astype(jnp.int32)
    dst = edge_index[1].astype(jnp.int32)
    b1 = b1.reshape(1, D).astype(jnp.float32)
    b2 = b2.reshape(1, D).astype(jnp.float32)
    xp = jnp.zeros((NPAD, D), jnp.float32).at[:N].set(x)
    zrows = jnp.zeros((ZR, D), jnp.float32)
    orows = jnp.ones((BLK, D), jnp.float32)

    sc_count = _sc_count_fn()
    sc_aggregate = _sc_aggregate_fn()

    sd = jnp.stack([src.reshape(NBLK, BLK), dst.reshape(NBLK, BLK)],
                   axis=1).reshape(2 * NBLK, BLK)

    degp = sc_count(zrows, orows, dst).reshape(NC, NPAD, D)
    hp1, disb = _tc1(xp, W1, degp)
    p = sc_aggregate(zrows, sd, hp1).reshape(NC, NPAD, D)
    hp2 = _tc2(p, hp1, disb, b1, W2)
    q = sc_aggregate(zrows, sd, hp2).reshape(NC, NPAD, D)
    return _tc3(q, hp2, disb, b2)[:N]

# --- scband reference (transcript-rebuilt; emitter-appended) ---
"""Pipeline reference for scband-graph-neural-network-33638183862373 (READ-ONLY COPY).

The authoritative reference and input builder live on the scoring server;
editing this copy changes nothing except your own understanding.
"""

import jax, jax.numpy as jnp
import numpy as np

N_NODES = 10000
D_IN = 128
D_HID = 128
D_OUT = 128
N_EDGES = 320000


def setup_inputs(seed: int = 0) -> dict:
    key = jax.random.key(seed)
    k1, k2, k3, k4, k5, k6 = jax.random.split(key, 6)
    x = jax.random.normal(k1, (N_NODES, D_IN), dtype=jnp.float32)
    edge_index = jax.random.randint(k2, (2, N_EDGES), 0, N_NODES)
    # GCN backbone: layer1 (in->hidden) + ReLU, layer2 (hidden->out)
    W1 = jax.random.normal(k3, (D_IN, D_HID), dtype=jnp.float32) * (1.0 / np.sqrt(D_IN))
    b1 = jnp.zeros((D_HID,), dtype=jnp.float32)
    W2 = jax.random.normal(k4, (D_HID, D_OUT), dtype=jnp.float32) * (1.0 / np.sqrt(D_HID))
    b2 = jnp.zeros((D_OUT,), dtype=jnp.float32)
    return {"x": x, "edge_index": edge_index, "W1": W1, "b1": b1, "W2": W2, "b2": b2}


def _gcn_conv(x, src, dst, norm, W, b, num_nodes):
    # GCNConv: h = A_hat @ (x W) + b, with A_hat = D^-1/2 (A + I) D^-1/2
    h = x @ W
    msg = h[src] * norm[:, None]
    out = jnp.zeros((num_nodes, W.shape[1]), dtype=h.dtype).at[dst].add(msg)
    return out + b


def _build_norm(edge_index, num_nodes):
    loop = jnp.arange(num_nodes, dtype=edge_index.dtype)
    src = jnp.concatenate([edge_index[0], loop])
    dst = jnp.concatenate([edge_index[1], loop])
    deg = jnp.zeros((num_nodes,), dtype=jnp.float32).at[dst].add(1.0)
    deg_inv_sqrt = jnp.where(deg > 0, 1.0 / jnp.sqrt(deg), 0.0)
    norm = deg_inv_sqrt[src] * deg_inv_sqrt[dst]
    return src, dst, norm


def reference(x, edge_index, W1, b1, W2, b2):
    num_nodes = x.shape[0]
    src, dst, norm = _build_norm(edge_index, num_nodes)
    h = _gcn_conv(x, src, dst, norm, W1, b1, num_nodes)
    h = jax.nn.relu(h)
    out = _gcn_conv(h, src, dst, norm, W2, b2, num_nodes)
    return out

if __name__ == "__main__":
    import jax
    _d = setup_inputs()
    print(jax.jit(kernel)(*tuple(_d.values())))

</pallas_src>

<mosaic_0001>
#map = affine_map<(d0, d1) -> (0, 0)>
module attributes {stable_mosaic.version = 14 : i64} {
  func.func @_sc_aggregate(%arg0: i32, %arg1: i32, %arg2: memref<128x128xf32, #tpu.memory_space<hbm>>, %arg3: memref<5000x128xi32, #tpu.memory_space<hbm>>, %arg4: memref<10240x128xf32, #tpu.memory_space<hbm>>, %arg5: memref<20480x128xf32, #tpu.memory_space<hbm>>, %arg6: memref<2x128xi32, #tpu.memory_space<vmem>>, %arg7: memref<128x128xf32, #tpu.memory_space<vmem>>, %arg8: memref<128x128xf32, #tpu.memory_space<vmem>>, %arg9: memref<10240x128xf32, #tpu.memory_space<vmem_shared>>, %arg10: memref<!tpu.dma_semaphore, #tpu.memory_space<semaphore_mem>>) attributes {dimension_semantics = [#tpu.dimension_semantics<core_parallel>, #tpu.dimension_semantics<subcore_parallel>], iteration_bounds = array<i64: 2, 16>, scalar_prefetch = 0 : i64, scratch_operands = 5 : i64, tpu.core_type = #tpu.core_type<sc_vector_subcore>, window_params = [{transform_indices = #map}, {transform_indices = #map}, {transform_indices = #map}, {transform_indices = #map}]} {
    %mul3A = arith.constant 2 : i32
    %mul3A_0 = arith.muli %arg1, %mul3A : i32
    %add3A = arith.addi %mul3A_0, %arg0 : i32
    "tpu.region"() ({
      %run_scoped3A = tpu.sem_alloc : memref<!tpu.dma_semaphore, #tpu.memory_space<semaphore_mem>>
      tpu.enqueue_dma source(%arg2 : memref<128x128xf32, #tpu.memory_space<hbm>>) target(%arg8 : memref<128x128xf32, #tpu.memory_space<vmem>>) target_semaphore(%run_scoped3A : memref<!tpu.dma_semaphore, #tpu.memory_space<semaphore_mem>>)
      tpu.wait_dma2 semaphore(%run_scoped3A : memref<!tpu.dma_semaphore, #tpu.memory_space<semaphore_mem>>) src(%arg2 : memref<128x128xf32, #tpu.memory_space<hbm>>) dst(%arg8 : memref<128x128xf32, #tpu.memory_space<vmem>>)
      tpu.yield
    }) : () -> ()
    %mul3A_1 = arith.constant 640 : i32
    %mul3A_2 = arith.muli %arg1, %mul3A_1 : i32
    %add3A_3 = arith.constant 0 : i32
    %add3A_4 = arith.addi %mul3A_2, %add3A_3 : i32
    "tpu.region"() ({
      %run_scoped3A = tpu.sem_alloc : memref<!tpu.dma_semaphore, #tpu.memory_space<semaphore_mem>>
      %dma_start3A = arith.constant 0 : i32
      %dma_start3A_91 = tpu.memref_slice %arg9[%add3A_4, %dma_start3A] : memref<10240x128xf32, #tpu.memory_space<vmem_shared>> -> memref<128x128xf32, #tpu.memory_space<vmem_shared>>
      %dma_start3A_92 = arith.constant 0 : i32
      %dma_start3A_93 = tpu.memref_slice %arg9[%add3A_4, %dma_start3A_92] : memref<10240x128xf32, #tpu.memory_space<vmem_shared>> -> memref<128x128xf32, #tpu.memory_space<vmem_shared>>
      tpu.enqueue_dma source(%arg8 : memref<128x128xf32, #tpu.memory_space<vmem>>) target(%dma_start3A_93 : memref<128x128xf32, #tpu.memory_space<vmem_shared>>) target_semaphore(%run_scoped3A : memref<!tpu.dma_semaphore, #tpu.memory_space<semaphore_mem>>)
      %dma_wait3A = arith.constant 0 : i32
      %dma_wait3A_94 = tpu.memref_slice %arg9[%add3A_4, %dma_wait3A] : memref<10240x128xf32, #tpu.memory_space<vmem_shared>> -> memref<128x128xf32, #tpu.memory_space<vmem_shared>>
      %dma_wait3A_95 = arith.constant 0 : i32
      %dma_wait3A_96 = tpu.memref_slice %arg9[%add3A_4, %dma_wait3A_95] : memref<10240x128xf32, #tpu.memory_space<vmem_shared>> -> memref<128x128xf32, #tpu.memory_space<vmem_shared>>
      tpu.wait_dma2 semaphore(%run_scoped3A : memref<!tpu.dma_semaphore, #tpu.memory_space<semaphore_mem>>) src(%arg8 : memref<128x128xf32, #tpu.memory_space<vmem>>) dst(%dma_wait3A_96 : memref<128x128xf32, #tpu.memory_space<vmem_shared>>)
      tpu.yield
    }) : () -> ()
    %mul3A_5 = arith.constant 640 : i32
    %mul3A_6 = arith.muli %arg1, %mul3A_5 : i32
    %add3A_7 = arith.constant 128 : i32
    %add3A_8 = arith.addi %mul3A_6, %add3A_7 : i32
    "tpu.region"() ({
      %run_scoped3A = tpu.sem_alloc : memref<!tpu.dma_semaphore, #tpu.memory_space<semaphore_mem>>
      %dma_start3A = arith.constant 0 : i32
      %dma_start3A_91 = tpu.memref_slice %arg9[%add3A_8, %dma_start3A] : memref<10240x128xf32, #tpu.memory_space<vmem_shared>> -> memref<128x128xf32, #tpu.memory_space<vmem_shared>>
      %dma_start3A_92 = arith.constant 0 : i32
      %dma_start3A_93 = tpu.memref_slice %arg9[%add3A_8, %dma_start3A_92] : memref<10240x128xf32, #tpu.memory_space<vmem_shared>> -> memref<128x128xf32, #tpu.memory_space<vmem_shared>>
      tpu.enqueue_dma source(%arg8 : memref<128x128xf32, #tpu.memory_space<vmem>>) target(%dma_start3A_93 : memref<128x128xf32, #tpu.memory_space<vmem_shared>>) target_semaphore(%run_scoped3A : memref<!tpu.dma_semaphore, #tpu.memory_space<semaphore_mem>>)
      %dma_wait3A = arith.constant 0 : i32
      %dma_wait3A_94 = tpu.memref_slice %arg9[%add3A_8, %dma_wait3A] : memref<10240x128xf32, #tpu.memory_space<vmem_shared>> -> memref<128x128xf32, #tpu.memory_space<vmem_shared>>
      %dma_wait3A_95 = arith.constant 0 : i32
      %dma_wait3A_96 = tpu.memref_slice %arg9[%add3A_8, %dma_wait3A_95] : memref<10240x128xf32, #tpu.memory_space<vmem_shared>> -> memref<128x128xf32, #tpu.memory_space<vmem_shared>>
      tpu.wait_dma2 semaphore(%run_scoped3A : memref<!tpu.dma_semaphore, #tpu.memory_space<semaphore_mem>>) src(%arg8 : memref<128x128xf32, #tpu.memory_space<vmem>>) dst(%dma_wait3A_96 : memref<128x128xf32, #tpu.memory_space<vmem_shared>>)
      tpu.yield
    }) : () -> ()
    %mul3A_9 = arith.constant 640 : i32
    %mul3A_10 = arith.muli %arg1, %mul3A_9 : i32
    %add3A_11 = arith.constant 256 : i32
    %add3A_12 = arith.addi %mul3A_10, %add3A_11 : i32
    "tpu.region"() ({
      %run_scoped3A = tpu.sem_alloc : memref<!tpu.dma_semaphore, #tpu.memory_space<semaphore_mem>>
      %dma_start3A = arith.constant 0 : i32
      %dma_start3A_91 = tpu.memref_slice %arg9[%add3A_12, %dma_start3A] : memref<10240x128xf32, #tpu.memory_space<vmem_shared>> -> memref<128x128xf32, #tpu.memory_space<vmem_shared>>
      %dma_start3A_92 = arith.constant 0 : i32
      %dma_start3A_93 = tpu.memref_slice %arg9[%add3A_12, %dma_start3A_92] : memref<10240x128xf32, #tpu.memory_space<vmem_shared>> -> memref<128x128xf32, #tpu.memory_space<vmem_shared>>
      tpu.enqueue_dma source(%arg8 : memref<128x128xf32, #tpu.memory_space<vmem>>) target(%dma_start3A_93 : memref<128x128xf32, #tpu.memory_space<vmem_shared>>) target_semaphore(%run_scoped3A : memref<!tpu.dma_semaphore, #tpu.memory_space<semaphore_mem>>)
      %dma_wait3A = arith.constant 0 : i32
      %dma_wait3A_94 = tpu.memref_slice %arg9[%add3A_12, %dma_wait3A] : memref<10240x128xf32, #tpu.memory_space<vmem_shared>> -> memref<128x128xf32, #tpu.memory_space<vmem_shared>>
      %dma_wait3A_95 = arith.constant 0 : i32
      %dma_wait3A_96 = tpu.memref_slice %arg9[%add3A_12, %dma_wait3A_95] : memref<10240x128xf32, #tpu.memory_space<vmem_shared>> -> memref<128x128xf32, #tpu.memory_space<vmem_shared>>
      tpu.wait_dma2 semaphore(%run_scoped3A : memref<!tpu.dma_semaphore, #tpu.memory_space<semaphore_mem>>) src(%arg8 : memref<128x128xf32, #tpu.memory_space<vmem>>) dst(%dma_wait3A_96 : memref<128x128xf32, #tpu.memory_space<vmem_shared>>)
      tpu.yield
    }) : () -> ()
    %mul3A_13 = arith.constant 640 : i32
    %mul3A_14 = arith.muli %arg1, %mul3A_13 : i32
    %add3A_15 = arith.constant 384 : i32
    %add3A_16 = arith.addi %mul3A_14, %add3A_15 : i32
    "tpu.region"() ({
      %run_scoped3A = tpu.sem_alloc : memref<!tpu.dma_semaphore, #tpu.memory_space<semaphore_mem>>
      %dma_start3A = arith.constant 0 : i32
      %dma_start3A_91 = tpu.memref_slice %arg9[%add3A_16, %dma_start3A] : memref<10240x128xf32, #tpu.memory_space<vmem_shared>> -> memref<128x128xf32, #tpu.memory_space<vmem_shared>>
      %dma_start3A_92 = arith.constant 0 : i32
      %dma_start3A_93 = tpu.memref_slice %arg9[%add3A_16, %dma_start3A_92] : memref<10240x128xf32, #tpu.memory_space<vmem_shared>> -> memref<128x128xf32, #tpu.memory_space<vmem_shared>>
      tpu.enqueue_dma source(%arg8 : memref<128x128xf32, #tpu.memory_space<vmem>>) target(%dma_start3A_93 : memref<128x128xf32, #tpu.memory_space<vmem_shared>>) target_semaphore(%run_scoped3A : memref<!tpu.dma_semaphore, #tpu.memory_space<semaphore_mem>>)
      %dma_wait3A = arith.constant 0 : i32
      %dma_wait3A_94 = tpu.memref_slice %arg9[%add3A_16, %dma_wait3A] : memref<10240x128xf32, #tpu.memory_space<vmem_shared>> -> memref<128x128xf32, #tpu.memory_space<vmem_shared>>
      %dma_wait3A_95 = arith.constant 0 : i32
      %dma_wait3A_96 = tpu.memref_slice %arg9[%add3A_16, %dma_wait3A_95] : memref<10240x128xf32, #tpu.memory_space<vmem_shared>> -> memref<128x128xf32, #tpu.memory_space<vmem_shared>>
      tpu.wait_dma2 semaphore(%run_scoped3A : memref<!tpu.dma_semaphore, #tpu.memory_space<semaphore_mem>>) src(%arg8 : memref<128x128xf32, #tpu.memory_space<vmem>>) dst(%dma_wait3A_96 : memref<128x128xf32, #tpu.memory_space<vmem_shared>>)
      tpu.yield
    }) : () -> ()
    %mul3A_17 = arith.constant 640 : i32
    %mul3A_18 = arith.muli %arg1, %mul3A_17 : i32
    %add3A_19 = arith.constant 512 : i32
    %add3A_20 = arith.addi %mul3A_18, %add3A_19 : i32
    "tpu.region"() ({
      %run_scoped3A = tpu.sem_alloc : memref<!tpu.dma_semaphore, #tpu.memory_space<semaphore_mem>>
      %dma_start3A = arith.constant 0 : i32
      %dma_start3A_91 = tpu.memref_slice %arg9[%add3A_20, %dma_start3A] : memref<10240x128xf32, #tpu.memory_space<vmem_shared>> -> memref<128x128xf32, #tpu.memory_space<vmem_shared>>
      %dma_start3A_92 = arith.constant 0 : i32
      %dma_start3A_93 = tpu.memref_slice %arg9[%add3A_20, %dma_start3A_92] : memref<10240x128xf32, #tpu.memory_space<vmem_shared>> -> memref<128x128xf32, #tpu.memory_space<vmem_shared>>
      tpu.enqueue_dma source(%arg8 : memref<128x128xf32, #tpu.memory_space<vmem>>) target(%dma_start3A_93 : memref<128x128xf32, #tpu.memory_space<vmem_shared>>) target_semaphore(%run_scoped3A : memref<!tpu.dma_semaphore, #tpu.memory_space<semaphore_mem>>)
      %dma_wait3A = arith.constant 0 : i32
      %dma_wait3A_94 = tpu.memref_slice %arg9[%add3A_20, %dma_wait3A] : memref<10240x128xf32, #tpu.memory_space<vmem_shared>> -> memref<128x128xf32, #tpu.memory_space<vmem_shared>>
      %dma_wait3A_95 = arith.constant 0 : i32
      %dma_wait3A_96 = tpu.memref_slice %arg9[%add3A_20, %dma_wait3A_95] : memref<10240x128xf32, #tpu.memory_space<vmem_shared>> -> memref<128x128xf32, #tpu.memory_space<vmem_shared>>
      tpu.wait_dma2 semaphore(%run_scoped3A : memref<!tpu.dma_semaphore, #tpu.memory_space<semaphore_mem>>) src(%arg8 : memref<128x128xf32, #tpu.memory_space<vmem>>) dst(%dma_wait3A_96 : memref<128x128xf32, #tpu.memory_space<vmem_shared>>)
      tpu.yield
    }) : () -> ()
    %barrier3A = arith.constant 0 : index
    tpu.barrier barrier_id(%barrier3A)
    %lt3A = arith.constant 4 : i32
    %lt3A_21 = arith.cmpi slt, %add3A, %lt3A : i32
    %convert_element_type3A = arith.extui %lt3A_21 : i1 to i32
    %add3A_22 = arith.constant 78 : i32
    %add3A_23 = arith.addi %add3A_22, %convert_element_type3A : i32
    %while3A = arith.constant 0 : i32
    %while3A_24 = arith.constant 0 : i32
    %while3A_25 = arith.subi %add3A_23, %while3A : i32
    %while3A_26 = arith.addi %while3A, %while3A_25 : i32
    %while3A_27 = arith.constant 1 : i32
    %while3A_28 = arith.divsi %while3A_25, %while3A_27 : i32
    %while3A_29 = arith.muli %while3A_28, %while3A_27 : i32
    %while3A_30 = arith.addi %while3A, %while3A_29 : i32
    %while3A_31 = arith.constant 1 : i32
    %while3A_32 = scf.for %while3A_91 = %while3A to %while3A_30 step %while3A_31 iter_args(%while3A_92 = %while3A_24) -> (i32)  : i32 {
      %mul3A_93 = arith.constant 32 : i32
      %mul3A_94 = arith.muli %while3A_91, %mul3A_93 : i32
      %add3A_95 = arith.addi %add3A, %mul3A_94 : i32
      %mul3A_96 = arith.constant 2 : i32
      %mul3A_97 = arith.muli %mul3A_96, %add3A_95 : i32
      "tpu.region"() ({
        %run_scoped3A_111 = tpu.sem_alloc : memref<!tpu.dma_semaphore, #tpu.memory_space<semaphore_mem>>
        %dma_start3A_112 = arith.constant 0 : i32
        %dma_start3A_113 = tpu.memref_slice %arg3[%mul3A_97, %dma_start3A_112] : memref<5000x128xi32, #tpu.memory_space<hbm>> -> memref<2x128xi32, #tpu.memory_space<hbm>>
        %dma_start3A_114 = arith.constant 0 : i32
        %dma_start3A_115 = tpu.memref_slice %arg3[%mul3A_97, %dma_start3A_114] : memref<5000x128xi32, #tpu.memory_space<hbm>> -> memref<2x128xi32, #tpu.memory_space<hbm>>
        tpu.enqueue_dma source(%dma_start3A_115 : memref<2x128xi32, #tpu.memory_space<hbm>>) target(%arg6 : memref<2x128xi32, #tpu.memory_space<vmem>>) target_semaphore(%run_scoped3A_111 : memref<!tpu.dma_semaphore, #tpu.memory_space<semaphore_mem>>)
        %dma_wait3A_116 = arith.constant 0 : i32
        %dma_wait3A_117 = tpu.memref_slice %arg3[%mul3A_97, %dma_wait3A_116] : memref<5000x128xi32, #tpu.memory_space<hbm>> -> memref<2x128xi32, #tpu.memory_space<hbm>>
        %dma_wait3A_118 = arith.constant 0 : i32
        %dma_wait3A_119 = tpu.memref_slice %arg3[%mul3A_97, %dma_wait3A_118] : memref<5000x128xi32, #tpu.memory_space<hbm>> -> memref<2x128xi32, #tpu.memory_space<hbm>>
        tpu.wait_dma2 semaphore(%run_scoped3A_111 : memref<!tpu.dma_semaphore, #tpu.memory_space<semaphore_mem>>) src(%dma_wait3A_119 : memref<2x128xi32, #tpu.memory_space<hbm>>) dst(%arg6 : memref<2x128xi32, #tpu.memory_space<vmem>>)
        tpu.yield
      }) : () -> ()
      %dma_start3A = arith.constant 0 : i32
      %dma_start3A_98 = arith.constant 0 : i32
      %dma_start3A_99 = tpu.memref_slice %arg6[%dma_start3A, %dma_start3A_98] : memref<2x128xi32, #tpu.memory_space<vmem>> -> memref<1x128xi32, #tpu.memory_space<vmem>>
      %dma_start3A_100 = tpu.memref_squeeze %dma_start3A_99 : memref<1x128xi32, #tpu.memory_space<vmem>> -> memref<128xi32, #tpu.memory_space<vmem>>
      %dma_start3A_101 = arith.constant 0 : i32
      %dma_start3A_102 = arith.constant 0 : i32
      %dma_start3A_103 = tpu.memref_slice %arg4[%dma_start3A_101, %dma_start3A_102] : memref<10240x128xf32, #tpu.memory_space<hbm>> -> memref<10240x128xf32, #tpu.memory_space<hbm>>
      tpu.enqueue_indirect_dma source(%dma_start3A_103 : memref<10240x128xf32, #tpu.memory_space<hbm>>) target(%arg7 : memref<128x128xf32, #tpu.memory_space<vmem>>) offsets(%dma_start3A_100 : memref<128xi32, #tpu.memory_space<vmem>>) semaphore(%arg10 : memref<!tpu.dma_semaphore, #tpu.memory_space<semaphore_mem>>)
      %dma_wait3A = arith.constant 0 : i32
      %dma_wait3A_104 = arith.constant 0 : i32
      %dma_wait3A_105 = tpu.memref_slice %arg6[%dma_wait3A, %dma_wait3A_104] : memref<2x128xi32, #tpu.memory_space<vmem>> -> memref<1x128xi32, #tpu.memory_space<vmem>>
      %dma_wait3A_106 = tpu.memref_squeeze %dma_wait3A_105 : memref<1x128xi32, #tpu.memory_space<vmem>> -> memref<128xi32, #tpu.memory_space<vmem>>
      %dma_wait3A_107 = arith.constant 0 : i32
      %dma_wait3A_108 = arith.constant 0 : i32
      %dma_wait3A_109 = tpu.memref_slice %arg4[%dma_wait3A_107, %dma_wait3A_108] : memref<10240x128xf32, #tpu.memory_space<hbm>> -> memref<10240x128xf32, #tpu.memory_space<hbm>>
      tpu.wait_indirect_dma semaphore(%arg10 : memref<!tpu.dma_semaphore, #tpu.memory_space<semaphore_mem>>) src(%dma_wait3A_109 : memref<10240x128xf32, #tpu.memory_space<hbm>>) dst(%arg7 : memref<128x128xf32, #tpu.memory_space<vmem>>)
      %run_scoped3A = arith.constant 1 : i32
      "tpu.region"() ({
        %run_scoped3A_111 = tpu.sem_alloc : memref<!tpu.dma_semaphore, #tpu.memory_space<semaphore_mem>>
        %dma_start3A_112 = arith.constant 0 : i32
        %dma_start3A_113 = tpu.memref_slice %arg6[%run_scoped3A, %dma_start3A_112] : memref<2x128xi32, #tpu.memory_space<vmem>> -> memref<1x128xi32, #tpu.memory_space<vmem>>
        %dma_start3A_114 = tpu.memref_squeeze %dma_start3A_113 : memref<1x128xi32, #tpu.memory_space<vmem>> -> memref<128xi32, #tpu.memory_space<vmem>>
        %dma_start3A_115 = arith.constant 0 : i32
        %dma_start3A_116 = arith.constant 0 : i32
        %dma_start3A_117 = tpu.memref_slice %arg9[%dma_start3A_115, %dma_start3A_116] : memref<10240x128xf32, #tpu.memory_space<vmem_shared>> -> memref<10240x128xf32, #tpu.memory_space<vmem_shared>>
        tpu.enqueue_indirect_dma source(%arg7 : memref<128x128xf32, #tpu.memory_space<vmem>>) target(%dma_start3A_117 : memref<10240x128xf32, #tpu.memory_space<vmem_shared>>) offsets(%dma_start3A_114 : memref<128xi32, #tpu.memory_space<vmem>>) semaphore(%run_scoped3A_111 : memref<!tpu.dma_semaphore, #tpu.memory_space<semaphore_mem>>) {add = true}
        %dma_wait3A_118 = arith.constant 0 : i32
        %dma_wait3A_119 = tpu.memref_slice %arg6[%run_scoped3A, %dma_wait3A_118] : memref<2x128xi32, #tpu.memory_space<vmem>> -> memref<1x128xi32, #tpu.memory_space<vmem>>
        %dma_wait3A_120 = tpu.memref_squeeze %dma_wait3A_119 : memref<1x128xi32, #tpu.memory_space<vmem>> -> memref<128xi32, #tpu.memory_space<vmem>>
        %dma_wait3A_121 = arith.constant 0 : i32
        %dma_wait3A_122 = arith.constant 0 : i32
        %dma_wait3A_123 = tpu.memref_slice %arg9[%dma_wait3A_121, %dma_wait3A_122] : memref<10240x128xf32, #tpu.memory_space<vmem_shared>> -> memref<10240x128xf32, #tpu.memory_space<vmem_shared>>
        tpu.wait_indirect_dma semaphore(%run_scoped3A_111 : memref<!tpu.dma_semaphore, #tpu.memory_space<semaphore_mem>>) src(%arg7 : memref<128x128xf32, #tpu.memory_space<vmem>>) dst(%dma_wait3A_123 : memref<10240x128xf32, #tpu.memory_space<vmem_shared>>)
        tpu.yield
      }) : () -> ()
      %while3A_110 = arith.constant 0 : i32
      scf.yield %while3A_110 : i32
    }
    %while3A_33 = arith.constant 1 : i32
    %while3A_34 = scf.for %while3A_91 = %while3A_30 to %while3A_26 step %while3A_33 iter_args(%while3A_92 = %while3A_32) -> (i32)  : i32 {
      %mul3A_93 = arith.constant 32 : i32
      %mul3A_94 = arith.muli %while3A_91, %mul3A_93 : i32
      %add3A_95 = arith.addi %add3A, %mul3A_94 : i32
      %mul3A_96 = arith.constant 2 : i32
      %mul3A_97 = arith.muli %mul3A_96, %add3A_95 : i32
      "tpu.region"() ({
        %run_scoped3A_111 = tpu.sem_alloc : memref<!tpu.dma_semaphore, #tpu.memory_space<semaphore_mem>>
        %dma_start3A_112 = arith.constant 0 : i32
        %dma_start3A_113 = tpu.memref_slice %arg3[%mul3A_97, %dma_start3A_112] : memref<5000x128xi32, #tpu.memory_space<hbm>> -> memref<2x128xi32, #tpu.memory_space<hbm>>
        %dma_start3A_114 = arith.constant 0 : i32
        %dma_start3A_115 = tpu.memref_slice %arg3[%mul3A_97, %dma_start3A_114] : memref<5000x128xi32, #tpu.memory_space<hbm>> -> memref<2x128xi32, #tpu.memory_space<hbm>>
        tpu.enqueue_dma source(%dma_start3A_115 : memref<2x128xi32, #tpu.memory_space<hbm>>) target(%arg6 : memref<2x128xi32, #tpu.memory_space<vmem>>) target_semaphore(%run_scoped3A_111 : memref<!tpu.dma_semaphore, #tpu.memory_space<semaphore_mem>>)
        %dma_wait3A_116 = arith.constant 0 : i32
        %dma_wait3A_117 = tpu.memref_slice %arg3[%mul3A_97, %dma_wait3A_116] : memref<5000x128xi32, #tpu.memory_space<hbm>> -> memref<2x128xi32, #tpu.memory_space<hbm>>
        %dma_wait3A_118 = arith.constant 0 : i32
        %dma_wait3A_119 = tpu.memref_slice %arg3[%mul3A_97, %dma_wait3A_118] : memref<5000x128xi32, #tpu.memory_space<hbm>> -> memref<2x128xi32, #tpu.memory_space<hbm>>
        tpu.wait_dma2 semaphore(%run_scoped3A_111 : memref<!tpu.dma_semaphore, #tpu.memory_space<semaphore_mem>>) src(%dma_wait3A_119 : memref<2x128xi32, #tpu.memory_space<hbm>>) dst(%arg6 : memref<2x128xi32, #tpu.memory_space<vmem>>)
        tpu.yield
      }) : () -> ()
      %dma_start3A = arith.constant 0 : i32
      %dma_start3A_98 = arith.constant 0 : i32
      %dma_start3A_99 = tpu.memref_slice %arg6[%dma_start3A, %dma_start3A_98] : memref<2x128xi32, #tpu.memory_space<vmem>> -> memref<1x128xi32, #tpu.memory_space<vmem>>
      %dma_start3A_100 = tpu.memref_squeeze %dma_start3A_99 : memref<1x128xi32, #tpu.memory_space<vmem>> -> memref<128xi32, #tpu.memory_space<vmem>>
      %dma_start3A_101 = arith.constant 0 : i32
      %dma_start3A_102 = arith.constant 0 : i32
      %dma_start3A_103 = tpu.memref_slice %arg4[%dma_start3A_101, %dma_start3A_102] : memref<10240x128xf32, #tpu.memory_space<hbm>> -> memref<10240x128xf32, #tpu.memory_space<hbm>>
      tpu.enqueue_indirect_dma source(%dma_start3A_103 : memref<10240x128xf32, #tpu.memory_space<hbm>>) target(%arg7 : memref<128x128xf32, #tpu.memory_space<vmem>>) offsets(%dma_start3A_100 : memref<128xi32, #tpu.memory_space<vmem>>) semaphore(%arg10 : memref<!tpu.dma_semaphore, #tpu.memory_space<semaphore_mem>>)
      %dma_wait3A = arith.constant 0 : i32
      %dma_wait3A_104 = arith.constant 0 : i32
      %dma_wait3A_105 = tpu.memref_slice %arg6[%dma_wait3A, %dma_wait3A_104] : memref<2x128xi32, #tpu.memory_space<vmem>> -> memref<1x128xi32, #tpu.memory_space<vmem>>
      %dma_wait3A_106 = tpu.memref_squeeze %dma_wait3A_105 : memref<1x128xi32, #tpu.memory_space<vmem>> -> memref<128xi32, #tpu.memory_space<vmem>>
      %dma_wait3A_107 = arith.constant 0 : i32
      %dma_wait3A_108 = arith.constant 0 : i32
      %dma_wait3A_109 = tpu.memref_slice %arg4[%dma_wait3A_107, %dma_wait3A_108] : memref<10240x128xf32, #tpu.memory_space<hbm>> -> memref<10240x128xf32, #tpu.memory_space<hbm>>
      tpu.wait_indirect_dma semaphore(%arg10 : memref<!tpu.dma_semaphore, #tpu.memory_space<semaphore_mem>>) src(%dma_wait3A_109 : memref<10240x128xf32, #tpu.memory_space<hbm>>) dst(%arg7 : memref<128x128xf32, #tpu.memory_space<vmem>>)
      %run_scoped3A = arith.constant 1 : i32
      "tpu.region"() ({
        %run_scoped3A_111 = tpu.sem_alloc : memref<!tpu.dma_semaphore, #tpu.memory_space<semaphore_mem>>
        %dma_start3A_112 = arith.constant 0 : i32
        %dma_start3A_113 = tpu.memref_slice %arg6[%run_scoped3A, %dma_start3A_112] : memref<2x128xi32, #tpu.memory_space<vmem>> -> memref<1x128xi32, #tpu.memory_space<vmem>>
        %dma_start3A_114 = tpu.memref_squeeze %dma_start3A_113 : memref<1x128xi32, #tpu.memory_space<vmem>> -> memref<128xi32, #tpu.memory_space<vmem>>
        %dma_start3A_115 = arith.constant 0 : i32
        %dma_start3A_116 = arith.constant 0 : i32
        %dma_start3A_117 = tpu.memref_slice %arg9[%dma_start3A_115, %dma_start3A_116] : memref<10240x128xf32, #tpu.memory_space<vmem_shared>> -> memref<10240x128xf32, #tpu.memory_space<vmem_shared>>
        tpu.enqueue_indirect_dma source(%arg7 : memref<128x128xf32, #tpu.memory_space<vmem>>) target(%dma_start3A_117 : memref<10240x128xf32, #tpu.memory_space<vmem_shared>>) offsets(%dma_start3A_114 : memref<128xi32, #tpu.memory_space<vmem>>) semaphore(%run_scoped3A_111 : memref<!tpu.dma_semaphore, #tpu.memory_space<semaphore_mem>>) {add = true}
        %dma_wait3A_118 = arith.constant 0 : i32
        %dma_wait3A_119 = tpu.memref_slice %arg6[%run_scoped3A, %dma_wait3A_118] : memref<2x128xi32, #tpu.memory_space<vmem>> -> memref<1x128xi32, #tpu.memory_space<vmem>>
        %dma_wait3A_120 = tpu.memref_squeeze %dma_wait3A_119 : memref<1x128xi32, #tpu.memory_space<vmem>> -> memref<128xi32, #tpu.memory_space<vmem>>
        %dma_wait3A_121 = arith.constant 0 : i32
        %dma_wait3A_122 = arith.constant 0 : i32
        %dma_wait3A_123 = tpu.memref_slice %arg9[%dma_wait3A_121, %dma_wait3A_122] : memref<10240x128xf32, #tpu.memory_space<vmem_shared>> -> memref<10240x128xf32, #tpu.memory_space<vmem_shared>>
        tpu.wait_indirect_dma semaphore(%run_scoped3A_111 : memref<!tpu.dma_semaphore, #tpu.memory_space<semaphore_mem>>) src(%arg7 : memref<128x128xf32, #tpu.memory_space<vmem>>) dst(%dma_wait3A_123 : memref<10240x128xf32, #tpu.memory_space<vmem_shared>>)
        tpu.yield
      }) : () -> ()
      %while3A_110 = arith.constant 0 : i32
      scf.yield %while3A_110 : i32
    }
    %barrier3A_35 = arith.constant 0 : index
    tpu.barrier barrier_id(%barrier3A_35)
    %mul3A_36 = arith.constant 640 : i32
    %mul3A_37 = arith.muli %arg1, %mul3A_36 : i32
    %add3A_38 = arith.constant 0 : i32
    %add3A_39 = arith.addi %mul3A_37, %add3A_38 : i32
    "tpu.region"() ({
      %run_scoped3A = tpu.sem_alloc : memref<!tpu.dma_semaphore, #tpu.memory_space<semaphore_mem>>
      %dma_start3A = arith.constant 0 : i32
      %dma_start3A_91 = tpu.memref_slice %arg9[%add3A_39, %dma_start3A] : memref<10240x128xf32, #tpu.memory_space<vmem_shared>> -> memref<128x128xf32, #tpu.memory_space<vmem_shared>>
      %dma_start3A_92 = arith.constant 0 : i32
      %dma_start3A_93 = tpu.memref_slice %arg9[%add3A_39, %dma_start3A_92] : memref<10240x128xf32, #tpu.memory_space<vmem_shared>> -> memref<128x128xf32, #tpu.memory_space<vmem_shared>>
      tpu.enqueue_dma source(%dma_start3A_93 : memref<128x128xf32, #tpu.memory_space<vmem_shared>>) target(%arg8 : memref<128x128xf32, #tpu.memory_space<vmem>>) target_semaphore(%run_scoped3A : memref<!tpu.dma_semaphore, #tpu.memory_space<semaphore_mem>>)
      %dma_wait3A = arith.constant 0 : i32
      %dma_wait3A_94 = tpu.memref_slice %arg9[%add3A_39, %dma_wait3A] : memref<10240x128xf32, #tpu.memory_space<vmem_shared>> -> memref<128x128xf32, #tpu.memory_space<vmem_shared>>
      %dma_wait3A_95 = arith.constant 0 : i32
      %dma_wait3A_96 = tpu.memref_slice %arg9[%add3A_39, %dma_wait3A_95] : memref<10240x128xf32, #tpu.memory_space<vmem_shared>> -> memref<128x128xf32, #tpu.memory_space<vmem_shared>>
      tpu.wait_dma2 semaphore(%run_scoped3A : memref<!tpu.dma_semaphore, #tpu.memory_space<semaphore_mem>>) src(%dma_wait3A_96 : memref<128x128xf32, #tpu.memory_space<vmem_shared>>) dst(%arg8 : memref<128x128xf32, #tpu.memory_space<vmem>>)
      tpu.yield
    }) : () -> ()
    %mul3A_40 = arith.constant 10240 : i32
    %mul3A_41 = arith.muli %arg0, %mul3A_40 : i32
    %mul3A_42 = arith.constant 640 : i32
    %mul3A_43 = arith.muli %arg1, %mul3A_42 : i32
    %add3A_44 = arith.addi %mul3A_41, %mul3A_43 : i32
    %add3A_45 = arith.constant 0 : i32
    %add3A_46 = arith.addi %add3A_44, %add3A_45 : i32
    "tpu.region"() ({
      %run_scoped3A = tpu.sem_alloc : memref<!tpu.dma_semaphore, #tpu.memory_space<semaphore_mem>>
      %dma_start3A = arith.constant 0 : i32
      %dma_start3A_91 = tpu.memref_slice %arg5[%add3A_46, %dma_start3A] : memref<20480x128xf32, #tpu.memory_space<hbm>> -> memref<128x128xf32, #tpu.memory_space<hbm>>
      %dma_start3A_92 = arith.constant 0 : i32
      %dma_start3A_93 = tpu.memref_slice %arg5[%add3A_46, %dma_start3A_92] : memref<20480x128xf32, #tpu.memory_space<hbm>> -> memref<128x128xf32, #tpu.memory_space<hbm>>
      tpu.enqueue_dma source(%arg8 : memref<128x128xf32, #tpu.memory_space<vmem>>) target(%dma_start3A_93 : memref<128x128xf32, #tpu.memory_space<hbm>>) target_semaphore(%run_scoped3A : memref<!tpu.dma_semaphore, #tpu.memory_space<semaphore_mem>>)
      %dma_wait3A = arith.constant 0 : i32
      %dma_wait3A_94 = tpu.memref_slice %arg5[%add3A_46, %dma_wait3A] : memref<20480x128xf32, #tpu.memory_space<hbm>> -> memref<128x128xf32, #tpu.memory_space<hbm>>
      %dma_wait3A_95 = arith.constant 0 : i32
      %dma_wait3A_96 = tpu.memref_slice %arg5[%add3A_46, %dma_wait3A_95] : memref<20480x128xf32, #tpu.memory_space<hbm>> -> memref<128x128xf32, #tpu.memory_space<hbm>>
      tpu.wait_dma2 semaphore(%run_scoped3A : memref<!tpu.dma_semaphore, #tpu.memory_space<semaphore_mem>>) src(%arg8 : memref<128x128xf32, #tpu.memory_space<vmem>>) dst(%dma_wait3A_96 : memref<128x128xf32, #tpu.memory_space<hbm>>)
      tpu.yield
    }) : () -> ()
    %mul3A_47 = arith.constant 640 : i32
    %mul3A_48 = arith.muli %arg1, %mul3A_47 : i32
    %add3A_49 = arith.constant 128 : i32
    %add3A_50 = arith.addi %mul3A_48, %add3A_49 : i32
    "tpu.region"() ({
      %run_scoped3A = tpu.sem_alloc : memref<!tpu.dma_semaphore, #tpu.memory_space<semaphore_mem>>
      %dma_start3A = arith.constant 0 : i32
      %dma_start3A_91 = tpu.memref_slice %arg9[%add3A_50, %dma_start3A] : memref<10240x128xf32, #tpu.memory_space<vmem_shared>> -> memref<128x128xf32, #tpu.memory_space<vmem_shared>>
      %dma_start3A_92 = arith.constant 0 : i32
      %dma_start3A_93 = tpu.memref_slice %arg9[%add3A_50, %dma_start3A_92] : memref<10240x128xf32, #tpu.memory_space<vmem_shared>> -> memref<128x128xf32, #tpu.memory_space<vmem_shared>>
      tpu.enqueue_dma source(%dma_start3A_93 : memref<128x128xf32, #tpu.memory_space<vmem_shared>>) target(%arg8 : memref<128x128xf32, #tpu.memory_space<vmem>>) target_semaphore(%run_scoped3A : memref<!tpu.dma_semaphore, #tpu.memory_space<semaphore_mem>>)
      %dma_wait3A = arith.constant 0 : i32
      %dma_wait3A_94 = tpu.memref_slice %arg9[%add3A_50, %dma_wait3A] : memref<10240x128xf32, #tpu.memory_space<vmem_shared>> -> memref<128x128xf32, #tpu.memory_space<vmem_shared>>
      %dma_wait3A_95 = arith.constant 0 : i32
      %dma_wait3A_96 = tpu.memref_slice %arg9[%add3A_50, %dma_wait3A_95] : memref<10240x128xf32, #tpu.memory_space<vmem_shared>> -> memref<128x128xf32, #tpu.memory_space<vmem_shared>>
      tpu.wait_dma2 semaphore(%run_scoped3A : memref<!tpu.dma_semaphore, #tpu.memory_space<semaphore_mem>>) src(%dma_wait3A_96 : memref<128x128xf32, #tpu.memory_space<vmem_shared>>) dst(%arg8 : memref<128x128xf32, #tpu.memory_space<vmem>>)
      tpu.yield
    }) : () -> ()
    %mul3A_51 = arith.constant 10240 : i32
    %mul3A_52 = arith.muli %arg0, %mul3A_51 : i32
    %mul3A_53 = arith.constant 640 : i32
    %mul3A_54 = arith.muli %arg1, %mul3A_53 : i32
    %add3A_55 = arith.addi %mul3A_52, %mul3A_54 : i32
    %add3A_56 = arith.constant 128 : i32
    %add3A_57 = arith.addi %add3A_55, %add3A_56 : i32
    "tpu.region"() ({
      %run_scoped3A = tpu.sem_alloc : memref<!tpu.dma_semaphore, #tpu.memory_space<semaphore_mem>>
      %dma_start3A = arith.constant 0 : i32
      %dma_start3A_91 = tpu.memref_slice %arg5[%add3A_57, %dma_start3A] : memref<20480x128xf32, #tpu.memory_space<hbm>> -> memref<128x128xf32, #tpu.memory_space<hbm>>
      %dma_start3A_92 = arith.constant 0 : i32
      %dma_start3A_93 = tpu.memref_slice %arg5[%add3A_57, %dma_start3A_92] : memref<20480x128xf32, #tpu.memory_space<hbm>> -> memref<128x128xf32, #tpu.memory_space<hbm>>
      tpu.enqueue_dma source(%arg8 : memref<128x128xf32, #tpu.memory_space<vmem>>) target(%dma_start3A_93 : memref<128x128xf32, #tpu.memory_space<hbm>>) target_semaphore(%run_scoped3A : memref<!tpu.dma_semaphore, #tpu.memory_space<semaphore_mem>>)
      %dma_wait3A = arith.constant 0 : i32
      %dma_wait3A_94 = tpu.memref_slice %arg5[%add3A_57, %dma_wait3A] : memref<20480x128xf32, #tpu.memory_space<hbm>> -> memref<128x128xf32, #tpu.memory_space<hbm>>
      %dma_wait3A_95 = arith.constant 0 : i32
      %dma_wait3A_96 = tpu.memref_slice %arg5[%add3A_57, %dma_wait3A_95] : memref<20480x128xf32, #tpu.memory_space<hbm>> -> memref<128x128xf32, #tpu.memory_space<hbm>>
      tpu.wait_dma2 semaphore(%run_scoped3A : memref<!tpu.dma_semaphore, #tpu.memory_space<semaphore_mem>>) src(%arg8 : memref<128x128xf32, #tpu.memory_space<vmem>>) dst(%dma_wait3A_96 : memref<128x128xf32, #tpu.memory_space<hbm>>)
      tpu.yield
    }) : () -> ()
    %mul3A_58 = arith.constant 640 : i32
    %mul3A_59 = arith.muli %arg1, %mul3A_58 : i32
    %add3A_60 = arith.constant 256 : i32
    %add3A_61 = arith.addi %mul3A_59, %add3A_60 : i32
    "tpu.region"() ({
      %run_scoped3A = tpu.sem_alloc : memref<!tpu.dma_semaphore, #tpu.memory_space<semaphore_mem>>
      %dma_start3A = arith.constant 0 : i32
      %dma_start3A_91 = tpu.memref_slice %arg9[%add3A_61, %dma_start3A] : memref<10240x128xf32, #tpu.memory_space<vmem_shared>> -> memref<128x128xf32, #tpu.memory_space<vmem_shared>>
      %dma_start3A_92 = arith.constant 0 : i32
      %dma_start3A_93 = tpu.memref_slice %arg9[%add3A_61, %dma_start3A_92] : memref<10240x128xf32, #tpu.memory_space<vmem_shared>> -> memref<128x128xf32, #tpu.memory_space<vmem_shared>>
      tpu.enqueue_dma source(%dma_start3A_93 : memref<128x128xf32, #tpu.memory_space<vmem_shared>>) target(%arg8 : memref<128x128xf32, #tpu.memory_space<vmem>>) target_semaphore(%run_scoped3A : memref<!tpu.dma_semaphore, #tpu.memory_space<semaphore_mem>>)
      %dma_wait3A = arith.constant 0 : i32
      %dma_wait3A_94 = tpu.memref_slice %arg9[%add3A_61, %dma_wait3A] : memref<10240x128xf32, #tpu.memory_space<vmem_shared>> -> memref<128x128xf32, #tpu.memory_space<vmem_shared>>
      %dma_wait3A_95 = arith.constant 0 : i32
      %dma_wait3A_96 = tpu.memref_slice %arg9[%add3A_61, %dma_wait3A_95] : memref<10240x128xf32, #tpu.memory_space<vmem_shared>> -> memref<128x128xf32, #tpu.memory_space<vmem_shared>>
      tpu.wait_dma2 semaphore(%run_scoped3A : memref<!tpu.dma_semaphore, #tpu.memory_space<semaphore_mem>>) src(%dma_wait3A_96 : memref<128x128xf32, #tpu.memory_space<vmem_shared>>) dst(%arg8 : memref<128x128xf32, #tpu.memory_space<vmem>>)
      tpu.yield
    }) : () -> ()
    %mul3A_62 = arith.constant 10240 : i32
    %mul3A_63 = arith.muli %arg0, %mul3A_62 : i32
    %mul3A_64 = arith.constant 640 : i32
    %mul3A_65 = arith.muli %arg1, %mul3A_64 : i32
    %add3A_66 = arith.addi %mul3A_63, %mul3A_65 : i32
    %add3A_67 = arith.constant 256 : i32
    %add3A_68 = arith.addi %add3A_66, %add3A_67 : i32
    "tpu.region"() ({
      %run_scoped3A = tpu.sem_alloc : memref<!tpu.dma_semaphore, #tpu.memory_space<semaphore_mem>>
      %dma_start3A = arith.constant 0 : i32
      %dma_start3A_91 = tpu.memref_slice %arg5[%add3A_68, %dma_start3A] : memref<20480x128xf32, #tpu.memory_space<hbm>> -> memref<128x128xf32, #tpu.memory_space<hbm>>
      %dma_start3A_92 = arith.constant 0 : i32
      %dma_start3A_93 = tpu.memref_slice %arg5[%add3A_68, %dma_start3A_92] : memref<20480x128xf32, #tpu.memory_space<hbm>> -> memref<128x128xf32, #tpu.memory_space<hbm>>
      tpu.enqueue_dma source(%arg8 : memref<128x128xf32, #tpu.memory_space<vmem>>) target(%dma_start3A_93 : memref<128x128xf32, #tpu.memory_space<hbm>>) target_semaphore(%run_scoped3A : memref<!tpu.dma_semaphore, #tpu.memory_space<semaphore_mem>>)
      %dma_wait3A = arith.constant 0 : i32
      %dma_wait3A_94 = tpu.memref_slice %arg5[%add3A_68, %dma_wait3A] : memref<20480x128xf32, #tpu.memory_space<hbm>> -> memref<128x128xf32, #tpu.memory_space<hbm>>
      %dma_wait3A_95 = arith.constant 0 : i32
      %dma_wait3A_96 = tpu.memref_slice %arg5[%add3A_68, %dma_wait3A_95] : memref<20480x128xf32, #tpu.memory_space<hbm>> -> memref<128x128xf32, #tpu.memory_space<hbm>>
      tpu.wait_dma2 semaphore(%run_scoped3A : memref<!tpu.dma_semaphore, #tpu.memory_space<semaphore_mem>>) src(%arg8 : memref<128x128xf32, #tpu.memory_space<vmem>>) dst(%dma_wait3A_96 : memref<128x128xf32, #tpu.memory_space<hbm>>)
      tpu.yield
    }) : () -> ()
    %mul3A_69 = arith.constant 640 : i32
    %mul3A_70 = arith.muli %arg1, %mul3A_69 : i32
    %add3A_71 = arith.constant 384 : i32
    %add3A_72 = arith.addi %mul3A_70, %add3A_71 : i32
    "tpu.region"() ({
      %run_scoped3A = tpu.sem_alloc : memref<!tpu.dma_semaphore, #tpu.memory_space<semaphore_mem>>
      %dma_start3A = arith.constant 0 : i32
      %dma_start3A_91 = tpu.memref_slice %arg9[%add3A_72, %dma_start3A] : memref<10240x128xf32, #tpu.memory_space<vmem_shared>> -> memref<128x128xf32, #tpu.memory_space<vmem_shared>>
      %dma_start3A_92 = arith.constant 0 : i32
      %dma_start3A_93 = tpu.memref_slice %arg9[%add3A_72, %dma_start3A_92] : memref<10240x128xf32, #tpu.memory_space<vmem_shared>> -> memref<128x128xf32, #tpu.memory_space<vmem_shared>>
      tpu.enqueue_dma source(%dma_start3A_93 : memref<128x128xf32, #tpu.memory_space<vmem_shared>>) target(%arg8 : memref<128x128xf32, #tpu.memory_space<vmem>>) target_semaphore(%run_scoped3A : memref<!tpu.dma_semaphore, #tpu.memory_space<semaphore_mem>>)
      %dma_wait3A = arith.constant 0 : i32
      %dma_wait3A_94 = tpu.memref_slice %arg9[%add3A_72, %dma_wait3A] : memref<10240x128xf32, #tpu.memory_space<vmem_shared>> -> memref<128x128xf32, #tpu.memory_space<vmem_shared>>
      %dma_wait3A_95 = arith.constant 0 : i32
      %dma_wait3A_96 = tpu.memref_slice %arg9[%add3A_72, %dma_wait3A_95] : memref<10240x128xf32, #tpu.memory_space<vmem_shared>> -> memref<128x128xf32, #tpu.memory_space<vmem_shared>>
      tpu.wait_dma2 semaphore(%run_scoped3A : memref<!tpu.dma_semaphore, #tpu.memory_space<semaphore_mem>>) src(%dma_wait3A_96 : memref<128x128xf32, #tpu.memory_space<vmem_shared>>) dst(%arg8 : memref<128x128xf32, #tpu.memory_space<vmem>>)
      tpu.yield
    }) : () -> ()
    %mul3A_73 = arith.constant 10240 : i32
    %mul3A_74 = arith.muli %arg0, %mul3A_73 : i32
    %mul3A_75 = arith.constant 640 : i32
    %mul3A_76 = arith.muli %arg1, %mul3A_75 : i32
    %add3A_77 = arith.addi %mul3A_74, %mul3A_76 : i32
    %add3A_78 = arith.constant 384 : i32
    %add3A_79 = arith.addi %add3A_77, %add3A_78 : i32
    "tpu.region"() ({
      %run_scoped3A = tpu.sem_alloc : memref<!tpu.dma_semaphore, #tpu.memory_space<semaphore_mem>>
      %dma_start3A = arith.constant 0 : i32
      %dma_start3A_91 = tpu.memref_slice %arg5[%add3A_79, %dma_start3A] : memref<20480x128xf32, #tpu.memory_space<hbm>> -> memref<128x128xf32, #tpu.memory_space<hbm>>
      %dma_start3A_92 = arith.constant 0 : i32
      %dma_start3A_93 = tpu.memref_slice %arg5[%add3A_79, %dma_start3A_92] : memref<20480x128xf32, #tpu.memory_space<hbm>> -> memref<128x128xf32, #tpu.memory_space<hbm>>
      tpu.enqueue_dma source(%arg8 : memref<128x128xf32, #tpu.memory_space<vmem>>) target(%dma_start3A_93 : memref<128x128xf32, #tpu.memory_space<hbm>>) target_semaphore(%run_scoped3A : memref<!tpu.dma_semaphore, #tpu.memory_space<semaphore_mem>>)
      %dma_wait3A = arith.constant 0 : i32
      %dma_wait3A_94 = tpu.memref_slice %arg5[%add3A_79, %dma_wait3A] : memref<20480x128xf32, #tpu.memory_space<hbm>> -> memref<128x128xf32, #tpu.memory_space<hbm>>
      %dma_wait3A_95 = arith.constant 0 : i32
      %dma_wait3A_96 = tpu.memref_slice %arg5[%add3A_79, %dma_wait3A_95] : memref<20480x128xf32, #tpu.memory_space<hbm>> -> memref<128x128xf32, #tpu.memory_space<hbm>>
      tpu.wait_dma2 semaphore(%run_scoped3A : memref<!tpu.dma_semaphore, #tpu.memory_space<semaphore_mem>>) src(%arg8 : memref<128x128xf32, #tpu.memory_space<vmem>>) dst(%dma_wait3A_96 : memref<128x128xf32, #tpu.memory_space<hbm>>)
      tpu.yield
    }) : () -> ()
    %mul3A_80 = arith.constant 640 : i32
    %mul3A_81 = arith.muli %arg1, %mul3A_80 : i32
    %add3A_82 = arith.constant 512 : i32
    %add3A_83 = arith.addi %mul3A_81, %add3A_82 : i32
    "tpu.region"() ({
      %run_scoped3A = tpu.sem_alloc : memref<!tpu.dma_semaphore, #tpu.memory_space<semaphore_mem>>
      %dma_start3A = arith.constant 0 : i32
      %dma_start3A_91 = tpu.memref_slice %arg9[%add3A_83, %dma_start3A] : memref<10240x128xf32, #tpu.memory_space<vmem_shared>> -> memref<128x128xf32, #tpu.memory_space<vmem_shared>>
      %dma_start3A_92 = arith.constant 0 : i32
      %dma_start3A_93 = tpu.memref_slice %arg9[%add3A_83, %dma_start3A_92] : memref<10240x128xf32, #tpu.memory_space<vmem_shared>> -> memref<128x128xf32, #tpu.memory_space<vmem_shared>>
      tpu.enqueue_dma source(%dma_start3A_93 : memref<128x128xf32, #tpu.memory_space<vmem_shared>>) target(%arg8 : memref<128x128xf32, #tpu.memory_space<vmem>>) target_semaphore(%run_scoped3A : memref<!tpu.dma_semaphore, #tpu.memory_space<semaphore_mem>>)
      %dma_wait3A = arith.constant 0 : i32
      %dma_wait3A_94 = tpu.memref_slice %arg9[%add3A_83, %dma_wait3A] : memref<10240x128xf32, #tpu.memory_space<vmem_shared>> -> memref<128x128xf32, #tpu.memory_space<vmem_shared>>
      %dma_wait3A_95 = arith.constant 0 : i32
      %dma_wait3A_96 = tpu.memref_slice %arg9[%add3A_83, %dma_wait3A_95] : memref<10240x128xf32, #tpu.memory_space<vmem_shared>> -> memref<128x128xf32, #tpu.memory_space<vmem_shared>>
      tpu.wait_dma2 semaphore(%run_scoped3A : memref<!tpu.dma_semaphore, #tpu.memory_space<semaphore_mem>>) src(%dma_wait3A_96 : memref<128x128xf32, #tpu.memory_space<vmem_shared>>) dst(%arg8 : memref<128x128xf32, #tpu.memory_space<vmem>>)
      tpu.yield
    }) : () -> ()
    %mul3A_84 = arith.constant 10240 : i32
    %mul3A_85 = arith.muli %arg0, %mul3A_84 : i32
    %mul3A_86 = arith.constant 640 : i32
    %mul3A_87 = arith.muli %arg1, %mul3A_86 : i32
    %add3A_88 = arith.addi %mul3A_85, %mul3A_87 : i32
    %add3A_89 = arith.constant 512 : i32
    %add3A_90 = arith.addi %add3A_88, %add3A_89 : i32
    "tpu.region"() ({
      %run_scoped3A = tpu.sem_alloc : memref<!tpu.dma_semaphore, #tpu.memory_space<semaphore_mem>>
      %dma_start3A = arith.constant 0 : i32
      %dma_start3A_91 = tpu.memref_slice %arg5[%add3A_90, %dma_start3A] : memref<20480x128xf32, #tpu.memory_space<hbm>> -> memref<128x128xf32, #tpu.memory_space<hbm>>
      %dma_start3A_92 = arith.constant 0 : i32
      %dma_start3A_93 = tpu.memref_slice %arg5[%add3A_90, %dma_start3A_92] : memref<20480x128xf32, #tpu.memory_space<hbm>> -> memref<128x128xf32, #tpu.memory_space<hbm>>
      tpu.enqueue_dma source(%arg8 : memref<128x128xf32, #tpu.memory_space<vmem>>) target(%dma_start3A_93 : memref<128x128xf32, #tpu.memory_space<hbm>>) target_semaphore(%run_scoped3A : memref<!tpu.dma_semaphore, #tpu.memory_space<semaphore_mem>>)
      %dma_wait3A = arith.constant 0 : i32
      %dma_wait3A_94 = tpu.memref_slice %arg5[%add3A_90, %dma_wait3A] : memref<20480x128xf32, #tpu.memory_space<hbm>> -> memref<128x128xf32, #tpu.memory_space<hbm>>
      %dma_wait3A_95 = arith.constant 0 : i32
      %dma_wait3A_96 = tpu.memref_slice %arg5[%add3A_90, %dma_wait3A_95] : memref<20480x128xf32, #tpu.memory_space<hbm>> -> memref<128x128xf32, #tpu.memory_space<hbm>>
      tpu.wait_dma2 semaphore(%run_scoped3A : memref<!tpu.dma_semaphore, #tpu.memory_space<semaphore_mem>>) src(%arg8 : memref<128x128xf32, #tpu.memory_space<vmem>>) dst(%dma_wait3A_96 : memref<128x128xf32, #tpu.memory_space<hbm>>)
      tpu.yield
    }) : () -> ()
    return
  }
}

#map = affine_map<(d0, d1) -> (0, 0)>
#map1 = affine_map<(d0, d1) -> (0)>
module attributes {stable_mosaic.version = 14 : i64} {
  func.func @_sc_count(%arg0: i32, %arg1: i32, %arg2: memref<128x128xf32, #tpu.memory_space<hbm>>, %arg3: memref<128x128xf32, #tpu.memory_space<hbm>>, %arg4: memref<320000xi32, #tpu.memory_space<hbm>>, %arg5: memref<20480x128xf32, #tpu.memory_space<hbm>>, %arg6: memref<128xi32, #tpu.memory_space<vmem>>, %arg7: memref<128x128xf32, #tpu.memory_space<vmem>>, %arg8: memref<128x128xf32, #tpu.memory_space<vmem>>, %arg9: memref<10240x128xf32, #tpu.memory_space<vmem_shared>>) attributes {dimension_semantics = [#tpu.dimension_semantics<core_parallel>, #tpu.dimension_semantics<subcore_parallel>], iteration_bounds = array<i64: 2, 16>, scalar_prefetch = 0 : i64, scratch_operands = 4 : i64, tpu.core_type = #tpu.core_type<sc_vector_subcore>, window_params = [{transform_indices = #map}, {transform_indices = #map}, {transform_indices = #map1}, {transform_indices = #map}]} {
    %mul3A = arith.constant 2 : i32
    %mul3A_0 = arith.muli %arg1, %mul3A : i32
    %add3A = arith.addi %mul3A_0, %arg0 : i32
    "tpu.region"() ({
      %run_scoped3A = tpu.sem_alloc : memref<!tpu.dma_semaphore, #tpu.memory_space<semaphore_mem>>
      tpu.enqueue_dma source(%arg2 : memref<128x128xf32, #tpu.memory_space<hbm>>) target(%arg8 : memref<128x128xf32, #tpu.memory_space<vmem>>) target_semaphore(%run_scoped3A : memref<!tpu.dma_semaphore, #tpu.memory_space<semaphore_mem>>)
      tpu.wait_dma2 semaphore(%run_scoped3A : memref<!tpu.dma_semaphore, #tpu.memory_space<semaphore_mem>>) src(%arg2 : memref<128x128xf32, #tpu.memory_space<hbm>>) dst(%arg8 : memref<128x128xf32, #tpu.memory_space<vmem>>)
      tpu.yield
    }) : () -> ()
    %mul3A_1 = arith.constant 640 : i32
    %mul3A_2 = arith.muli %arg1, %mul3A_1 : i32
    %add3A_3 = arith.constant 0 : i32
    %add3A_4 = arith.addi %mul3A_2, %add3A_3 : i32
    "tpu.region"() ({
      %run_scoped3A = tpu.sem_alloc : memref<!tpu.dma_semaphore, #tpu.memory_space<semaphore_mem>>
      %dma_start3A = arith.constant 0 : i32
      %dma_start3A_91 = tpu.memref_slice %arg9[%add3A_4, %dma_start3A] : memref<10240x128xf32, #tpu.memory_space<vmem_shared>> -> memref<128x128xf32, #tpu.memory_space<vmem_shared>>
      %dma_start3A_92 = arith.constant 0 : i32
      %dma_start3A_93 = tpu.memref_slice %arg9[%add3A_4, %dma_start3A_92] : memref<10240x128xf32, #tpu.memory_space<vmem_shared>> -> memref<128x128xf32, #tpu.memory_space<vmem_shared>>
      tpu.enqueue_dma source(%arg8 : memref<128x128xf32, #tpu.memory_space<vmem>>) target(%dma_start3A_93 : memref<128x128xf32, #tpu.memory_space<vmem_shared>>) target_semaphore(%run_scoped3A : memref<!tpu.dma_semaphore, #tpu.memory_space<semaphore_mem>>)
      %dma_wait3A = arith.constant 0 : i32
      %dma_wait3A_94 = tpu.memref_slice %arg9[%add3A_4, %dma_wait3A] : memref<10240x128xf32, #tpu.memory_space<vmem_shared>> -> memref<128x128xf32, #tpu.memory_space<vmem_shared>>
      %dma_wait3A_95 = arith.constant 0 : i32
      %dma_wait3A_96 = tpu.memref_slice %arg9[%add3A_4, %dma_wait3A_95] : memref<10240x128xf32, #tpu.memory_space<vmem_shared>> -> memref<128x128xf32, #tpu.memory_space<vmem_shared>>
      tpu.wait_dma2 semaphore(%run_scoped3A : memref<!tpu.dma_semaphore, #tpu.memory_space<semaphore_mem>>) src(%arg8 : memref<128x128xf32, #tpu.memory_space<vmem>>) dst(%dma_wait3A_96 : memref<128x128xf32, #tpu.memory_space<vmem_shared>>)
      tpu.yield
    }) : () -> ()
    %mul3A_5 = arith.constant 640 : i32
    %mul3A_6 = arith.muli %arg1, %mul3A_5 : i32
    %add3A_7 = arith.constant 128 : i32
    %add3A_8 = arith.addi %mul3A_6, %add3A_7 : i32
    "tpu.region"() ({
      %run_scoped3A = tpu.sem_alloc : memref<!tpu.dma_semaphore, #tpu.memory_space<semaphore_mem>>
      %dma_start3A = arith.constant 0 : i32
      %dma_start3A_91 = tpu.memref_slice %arg9[%add3A_8, %dma_start3A] : memref<10240x128xf32, #tpu.memory_space<vmem_shared>> -> memref<128x128xf32, #tpu.memory_space<vmem_shared>>
      %dma_start3A_92 = arith.constant 0 : i32
      %dma_start3A_93 = tpu.memref_slice %arg9[%add3A_8, %dma_start3A_92] : memref<10240x128xf32, #tpu.memory_space<vmem_shared>> -> memref<128x128xf32, #tpu.memory_space<vmem_shared>>
      tpu.enqueue_dma source(%arg8 : memref<128x128xf32, #tpu.memory_space<vmem>>) target(%dma_start3A_93 : memref<128x128xf32, #tpu.memory_space<vmem_shared>>) target_semaphore(%run_scoped3A : memref<!tpu.dma_semaphore, #tpu.memory_space<semaphore_mem>>)
      %dma_wait3A = arith.constant 0 : i32
      %dma_wait3A_94 = tpu.memref_slice %arg9[%add3A_8, %dma_wait3A] : memref<10240x128xf32, #tpu.memory_space<vmem_shared>> -> memref<128x128xf32, #tpu.memory_space<vmem_shared>>
      %dma_wait3A_95 = arith.constant 0 : i32
      %dma_wait3A_96 = tpu.memref_slice %arg9[%add3A_8, %dma_wait3A_95] : memref<10240x128xf32, #tpu.memory_space<vmem_shared>> -> memref<128x128xf32, #tpu.memory_space<vmem_shared>>
      tpu.wait_dma2 semaphore(%run_scoped3A : memref<!tpu.dma_semaphore, #tpu.memory_space<semaphore_mem>>) src(%arg8 : memref<128x128xf32, #tpu.memory_space<vmem>>) dst(%dma_wait3A_96 : memref<128x128xf32, #tpu.memory_space<vmem_shared>>)
      tpu.yield
    }) : () -> ()
    %mul3A_9 = arith.constant 640 : i32
    %mul3A_10 = arith.muli %arg1, %mul3A_9 : i32
    %add3A_11 = arith.constant 256 : i32
    %add3A_12 = arith.addi %mul3A_10, %add3A_11 : i32
    "tpu.region"() ({
      %run_scoped3A = tpu.sem_alloc : memref<!tpu.dma_semaphore, #tpu.memory_space<semaphore_mem>>
      %dma_start3A = arith.constant 0 : i32
      %dma_start3A_91 = tpu.memref_slice %arg9[%add3A_12, %dma_start3A] : memref<10240x128xf32, #tpu.memory_space<vmem_shared>> -> memref<128x128xf32, #tpu.memory_space<vmem_shared>>
      %dma_start3A_92 = arith.constant 0 : i32
      %dma_start3A_93 = tpu.memref_slice %arg9[%add3A_12, %dma_start3A_92] : memref<10240x128xf32, #tpu.memory_space<vmem_shared>> -> memref<128x128xf32, #tpu.memory_space<vmem_shared>>
      tpu.enqueue_dma source(%arg8 : memref<128x128xf32, #tpu.memory_space<vmem>>) target(%dma_start3A_93 : memref<128x128xf32, #tpu.memory_space<vmem_shared>>) target_semaphore(%run_scoped3A : memref<!tpu.dma_semaphore, #tpu.memory_space<semaphore_mem>>)
      %dma_wait3A = arith.constant 0 : i32
      %dma_wait3A_94 = tpu.memref_slice %arg9[%add3A_12, %dma_wait3A] : memref<10240x128xf32, #tpu.memory_space<vmem_shared>> -> memref<128x128xf32, #tpu.memory_space<vmem_shared>>
      %dma_wait3A_95 = arith.constant 0 : i32
      %dma_wait3A_96 = tpu.memref_slice %arg9[%add3A_12, %dma_wait3A_95] : memref<10240x128xf32, #tpu.memory_space<vmem_shared>> -> memref<128x128xf32, #tpu.memory_space<vmem_shared>>
      tpu.wait_dma2 semaphore(%run_scoped3A : memref<!tpu.dma_semaphore, #tpu.memory_space<semaphore_mem>>) src(%arg8 : memref<128x128xf32, #tpu.memory_space<vmem>>) dst(%dma_wait3A_96 : memref<128x128xf32, #tpu.memory_space<vmem_shared>>)
      tpu.yield
    }) : () -> ()
    %mul3A_13 = arith.constant 640 : i32
    %mul3A_14 = arith.muli %arg1, %mul3A_13 : i32
    %add3A_15 = arith.constant 384 : i32
    %add3A_16 = arith.addi %mul3A_14, %add3A_15 : i32
    "tpu.region"() ({
      %run_scoped3A = tpu.sem_alloc : memref<!tpu.dma_semaphore, #tpu.memory_space<semaphore_mem>>
      %dma_start3A = arith.constant 0 : i32
      %dma_start3A_91 = tpu.memref_slice %arg9[%add3A_16, %dma_start3A] : memref<10240x128xf32, #tpu.memory_space<vmem_shared>> -> memref<128x128xf32, #tpu.memory_space<vmem_shared>>
      %dma_start3A_92 = arith.constant 0 : i32
      %dma_start3A_93 = tpu.memref_slice %arg9[%add3A_16, %dma_start3A_92] : memref<10240x128xf32, #tpu.memory_space<vmem_shared>> -> memref<128x128xf32, #tpu.memory_space<vmem_shared>>
      tpu.enqueue_dma source(%arg8 : memref<128x128xf32, #tpu.memory_space<vmem>>) target(%dma_start3A_93 : memref<128x128xf32, #tpu.memory_space<vmem_shared>>) target_semaphore(%run_scoped3A : memref<!tpu.dma_semaphore, #tpu.memory_space<semaphore_mem>>)
      %dma_wait3A = arith.constant 0 : i32
      %dma_wait3A_94 = tpu.memref_slice %arg9[%add3A_16, %dma_wait3A] : memref<10240x128xf32, #tpu.memory_space<vmem_shared>> -> memref<128x128xf32, #tpu.memory_space<vmem_shared>>
      %dma_wait3A_95 = arith.constant 0 : i32
      %dma_wait3A_96 = tpu.memref_slice %arg9[%add3A_16, %dma_wait3A_95] : memref<10240x128xf32, #tpu.memory_space<vmem_shared>> -> memref<128x128xf32, #tpu.memory_space<vmem_shared>>
      tpu.wait_dma2 semaphore(%run_scoped3A : memref<!tpu.dma_semaphore, #tpu.memory_space<semaphore_mem>>) src(%arg8 : memref<128x128xf32, #tpu.memory_space<vmem>>) dst(%dma_wait3A_96 : memref<128x128xf32, #tpu.memory_space<vmem_shared>>)
      tpu.yield
    }) : () -> ()
    %mul3A_17 = arith.constant 640 : i32
    %mul3A_18 = arith.muli %arg1, %mul3A_17 : i32
    %add3A_19 = arith.constant 512 : i32
    %add3A_20 = arith.addi %mul3A_18, %add3A_19 : i32
    "tpu.region"() ({
      %run_scoped3A = tpu.sem_alloc : memref<!tpu.dma_semaphore, #tpu.memory_space<semaphore_mem>>
      %dma_start3A = arith.constant 0 : i32
      %dma_start3A_91 = tpu.memref_slice %arg9[%add3A_20, %dma_start3A] : memref<10240x128xf32, #tpu.memory_space<vmem_shared>> -> memref<128x128xf32, #tpu.memory_space<vmem_shared>>
      %dma_start3A_92 = arith.constant 0 : i32
      %dma_start3A_93 = tpu.memref_slice %arg9[%add3A_20, %dma_start3A_92] : memref<10240x128xf32, #tpu.memory_space<vmem_shared>> -> memref<128x128xf32, #tpu.memory_space<vmem_shared>>
      tpu.enqueue_dma source(%arg8 : memref<128x128xf32, #tpu.memory_space<vmem>>) target(%dma_start3A_93 : memref<128x128xf32, #tpu.memory_space<vmem_shared>>) target_semaphore(%run_scoped3A : memref<!tpu.dma_semaphore, #tpu.memory_space<semaphore_mem>>)
      %dma_wait3A = arith.constant 0 : i32
      %dma_wait3A_94 = tpu.memref_slice %arg9[%add3A_20, %dma_wait3A] : memref<10240x128xf32, #tpu.memory_space<vmem_shared>> -> memref<128x128xf32, #tpu.memory_space<vmem_shared>>
      %dma_wait3A_95 = arith.constant 0 : i32
      %dma_wait3A_96 = tpu.memref_slice %arg9[%add3A_20, %dma_wait3A_95] : memref<10240x128xf32, #tpu.memory_space<vmem_shared>> -> memref<128x128xf32, #tpu.memory_space<vmem_shared>>
      tpu.wait_dma2 semaphore(%run_scoped3A : memref<!tpu.dma_semaphore, #tpu.memory_space<semaphore_mem>>) src(%arg8 : memref<128x128xf32, #tpu.memory_space<vmem>>) dst(%dma_wait3A_96 : memref<128x128xf32, #tpu.memory_space<vmem_shared>>)
      tpu.yield
    }) : () -> ()
    "tpu.region"() ({
      %run_scoped3A = tpu.sem_alloc : memref<!tpu.dma_semaphore, #tpu.memory_space<semaphore_mem>>
      tpu.enqueue_dma source(%arg3 : memref<128x128xf32, #tpu.memory_space<hbm>>) target(%arg7 : memref<128x128xf32, #tpu.memory_space<vmem>>) target_semaphore(%run_scoped3A : memref<!tpu.dma_semaphore, #tpu.memory_space<semaphore_mem>>)
      tpu.wait_dma2 semaphore(%run_scoped3A : memref<!tpu.dma_semaphore, #tpu.memory_space<semaphore_mem>>) src(%arg3 : memref<128x128xf32, #tpu.memory_space<hbm>>) dst(%arg7 : memref<128x128xf32, #tpu.memory_space<vmem>>)
      tpu.yield
    }) : () -> ()
    %barrier3A = arith.constant 0 : index
    tpu.barrier barrier_id(%barrier3A)
    %lt3A = arith.constant 4 : i32
    %lt3A_21 = arith.cmpi slt, %add3A, %lt3A : i32
    %convert_element_type3A = arith.extui %lt3A_21 : i1 to i32
    %add3A_22 = arith.constant 78 : i32
    %add3A_23 = arith.addi %add3A_22, %convert_element_type3A : i32
    %while3A = arith.constant 0 : i32
    %while3A_24 = arith.constant 0 : i32
    %while3A_25 = arith.subi %add3A_23, %while3A : i32
    %while3A_26 = arith.addi %while3A, %while3A_25 : i32
    %while3A_27 = arith.constant 1 : i32
    %while3A_28 = arith.divsi %while3A_25, %while3A_27 : i32
    %while3A_29 = arith.muli %while3A_28, %while3A_27 : i32
    %while3A_30 = arith.addi %while3A, %while3A_29 : i32
    %while3A_31 = arith.constant 1 : i32
    %while3A_32 = scf.for %while3A_91 = %while3A to %while3A_30 step %while3A_31 iter_args(%while3A_92 = %while3A_24) -> (i32)  : i32 {
      %mul3A_93 = arith.constant 32 : i32
      %mul3A_94 = arith.muli %while3A_91, %mul3A_93 : i32
      %add3A_95 = arith.addi %add3A, %mul3A_94 : i32
      %mul3A_96 = arith.constant 128 : i32
      %mul3A_97 = arith.muli %add3A_95, %mul3A_96 : i32
      "tpu.region"() ({
        %run_scoped3A = tpu.sem_alloc : memref<!tpu.dma_semaphore, #tpu.memory_space<semaphore_mem>>
        %dma_start3A = tpu.memref_slice %arg4[%mul3A_97] : memref<320000xi32, #tpu.memory_space<hbm>> -> memref<128xi32, #tpu.memory_space<hbm>>
        %dma_start3A_99 = tpu.memref_slice %arg4[%mul3A_97] : memref<320000xi32, #tpu.memory_space<hbm>> -> memref<128xi32, #tpu.memory_space<hbm>>
        tpu.enqueue_dma source(%dma_start3A_99 : memref<128xi32, #tpu.memory_space<hbm>>) target(%arg6 : memref<128xi32, #tpu.memory_space<vmem>>) target_semaphore(%run_scoped3A : memref<!tpu.dma_semaphore, #tpu.memory_space<semaphore_mem>>)
        %dma_wait3A = tpu.memref_slice %arg4[%mul3A_97] : memref<320000xi32, #tpu.memory_space<hbm>> -> memref<128xi32, #tpu.memory_space<hbm>>
        %dma_wait3A_100 = tpu.memref_slice %arg4[%mul3A_97] : memref<320000xi32, #tpu.memory_space<hbm>> -> memref<128xi32, #tpu.memory_space<hbm>>
        tpu.wait_dma2 semaphore(%run_scoped3A : memref<!tpu.dma_semaphore, #tpu.memory_space<semaphore_mem>>) src(%dma_wait3A_100 : memref<128xi32, #tpu.memory_space<hbm>>) dst(%arg6 : memref<128xi32, #tpu.memory_space<vmem>>)
        tpu.yield
      }) : () -> ()
      "tpu.region"() ({
        %run_scoped3A = tpu.sem_alloc : memref<!tpu.dma_semaphore, #tpu.memory_space<semaphore_mem>>
        %dma_start3A = arith.constant 0 : i32
        %dma_start3A_99 = arith.constant 0 : i32
        %dma_start3A_100 = tpu.memref_slice %arg9[%dma_start3A, %dma_start3A_99] : memref<10240x128xf32, #tpu.memory_space<vmem_shared>> -> memref<10240x128xf32, #tpu.memory_space<vmem_shared>>
        tpu.enqueue_indirect_dma source(%arg7 : memref<128x128xf32, #tpu.memory_space<vmem>>) target(%dma_start3A_100 : memref<10240x128xf32, #tpu.memory_space<vmem_shared>>) offsets(%arg6 : memref<128xi32, #tpu.memory_space<vmem>>) semaphore(%run_scoped3A : memref<!tpu.dma_semaphore, #tpu.memory_space<semaphore_mem>>) {add = true}
        %dma_wait3A = arith.constant 0 : i32
        %dma_wait3A_101 = arith.constant 0 : i32
        %dma_wait3A_102 = tpu.memref_slice %arg9[%dma_wait3A, %dma_wait3A_101] : memref<10240x128xf32, #tpu.memory_space<vmem_shared>> -> memref<10240x128xf32, #tpu.memory_space<vmem_shared>>
        tpu.wait_indirect_dma semaphore(%run_scoped3A : memref<!tpu.dma_semaphore, #tpu.memory_space<semaphore_mem>>) src(%arg7 : memref<128x128xf32, #tpu.memory_space<vmem>>) dst(%dma_wait3A_102 : memref<10240x128xf32, #tpu.memory_space<vmem_shared>>)
        tpu.yield
      }) : () -> ()
      %while3A_98 = arith.constant 0 : i32
      scf.yield %while3A_98 : i32
    }
    %while3A_33 = arith.constant 1 : i32
    %while3A_34 = scf.for %while3A_91 = %while3A_30 to %while3A_26 step %while3A_33 iter_args(%while3A_92 = %while3A_32) -> (i32)  : i32 {
      %mul3A_93 = arith.constant 32 : i32
      %mul3A_94 = arith.muli %while3A_91, %mul3A_93 : i32
      %add3A_95 = arith.addi %add3A, %mul3A_94 : i32
      %mul3A_96 = arith.constant 128 : i32
      %mul3A_97 = arith.muli %add3A_95, %mul3A_96 : i32
      "tpu.region"() ({
        %run_scoped3A = tpu.sem_alloc : memref<!tpu.dma_semaphore, #tpu.memory_space<semaphore_mem>>
        %dma_start3A = tpu.memref_slice %arg4[%mul3A_97] : memref<320000xi32, #tpu.memory_space<hbm>> -> memref<128xi32, #tpu.memory_space<hbm>>
        %dma_start3A_99 = tpu.memref_slice %arg4[%mul3A_97] : memref<320000xi32, #tpu.memory_space<hbm>> -> memref<128xi32, #tpu.memory_space<hbm>>
        tpu.enqueue_dma source(%dma_start3A_99 : memref<128xi32, #tpu.memory_space<hbm>>) target(%arg6 : memref<128xi32, #tpu.memory_space<vmem>>) target_semaphore(%run_scoped3A : memref<!tpu.dma_semaphore, #tpu.memory_space<semaphore_mem>>)
        %dma_wait3A = tpu.memref_slice %arg4[%mul3A_97] : memref<320000xi32, #tpu.memory_space<hbm>> -> memref<128xi32, #tpu.memory_space<hbm>>
        %dma_wait3A_100 = tpu.memref_slice %arg4[%mul3A_97] : memref<320000xi32, #tpu.memory_space<hbm>> -> memref<128xi32, #tpu.memory_space<hbm>>
        tpu.wait_dma2 semaphore(%run_scoped3A : memref<!tpu.dma_semaphore, #tpu.memory_space<semaphore_mem>>) src(%dma_wait3A_100 : memref<128xi32, #tpu.memory_space<hbm>>) dst(%arg6 : memref<128xi32, #tpu.memory_space<vmem>>)
        tpu.yield
      }) : () -> ()
      "tpu.region"() ({
        %run_scoped3A = tpu.sem_alloc : memref<!tpu.dma_semaphore, #tpu.memory_space<semaphore_mem>>
        %dma_start3A = arith.constant 0 : i32
        %dma_start3A_99 = arith.constant 0 : i32
        %dma_start3A_100 = tpu.memref_slice %arg9[%dma_start3A, %dma_start3A_99] : memref<10240x128xf32, #tpu.memory_space<vmem_shared>> -> memref<10240x128xf32, #tpu.memory_space<vmem_shared>>
        tpu.enqueue_indirect_dma source(%arg7 : memref<128x128xf32, #tpu.memory_space<vmem>>) target(%dma_start3A_100 : memref<10240x128xf32, #tpu.memory_space<vmem_shared>>) offsets(%arg6 : memref<128xi32, #tpu.memory_space<vmem>>) semaphore(%run_scoped3A : memref<!tpu.dma_semaphore, #tpu.memory_space<semaphore_mem>>) {add = true}
        %dma_wait3A = arith.constant 0 : i32
        %dma_wait3A_101 = arith.constant 0 : i32
        %dma_wait3A_102 = tpu.memref_slice %arg9[%dma_wait3A, %dma_wait3A_101] : memref<10240x128xf32, #tpu.memory_space<vmem_shared>> -> memref<10240x128xf32, #tpu.memory_space<vmem_shared>>
        tpu.wait_indirect_dma semaphore(%run_scoped3A : memref<!tpu.dma_semaphore, #tpu.memory_space<semaphore_mem>>) src(%arg7 : memref<128x128xf32, #tpu.memory_space<vmem>>) dst(%dma_wait3A_102 : memref<10240x128xf32, #tpu.memory_space<vmem_shared>>)
        tpu.yield
      }) : () -> ()
      %while3A_98 = arith.constant 0 : i32
      scf.yield %while3A_98 : i32
    }
    %barrier3A_35 = arith.constant 0 : index
    tpu.barrier barrier_id(%barrier3A_35)
    %mul3A_36 = arith.constant 640 : i32
    %mul3A_37 = arith.muli %arg1, %mul3A_36 : i32
    %add3A_38 = arith.constant 0 : i32
    %add3A_39 = arith.addi %mul3A_37, %add3A_38 : i32
    "tpu.region"() ({
      %run_scoped3A = tpu.sem_alloc : memref<!tpu.dma_semaphore, #tpu.memory_space<semaphore_mem>>
      %dma_start3A = arith.constant 0 : i32
      %dma_start3A_91 = tpu.memref_slice %arg9[%add3A_39, %dma_start3A] : memref<10240x128xf32, #tpu.memory_space<vmem_shared>> -> memref<128x128xf32, #tpu.memory_space<vmem_shared>>
      %dma_start3A_92 = arith.constant 0 : i32
      %dma_start3A_93 = tpu.memref_slice %arg9[%add3A_39, %dma_start3A_92] : memref<10240x128xf32, #tpu.memory_space<vmem_shared>> -> memref<128x128xf32, #tpu.memory_space<vmem_shared>>
      tpu.enqueue_dma source(%dma_start3A_93 : memref<128x128xf32, #tpu.memory_space<vmem_shared>>) target(%arg8 : memref<128x128xf32, #tpu.memory_space<vmem>>) target_semaphore(%run_scoped3A : memref<!tpu.dma_semaphore, #tpu.memory_space<semaphore_mem>>)
      %dma_wait3A = arith.constant 0 : i32
      %dma_wait3A_94 = tpu.memref_slice %arg9[%add3A_39, %dma_wait3A] : memref<10240x128xf32, #tpu.memory_space<vmem_shared>> -> memref<128x128xf32, #tpu.memory_space<vmem_shared>>
      %dma_wait3A_95 = arith.constant 0 : i32
      %dma_wait3A_96 = tpu.memref_slice %arg9[%add3A_39, %dma_wait3A_95] : memref<10240x128xf32, #tpu.memory_space<vmem_shared>> -> memref<128x128xf32, #tpu.memory_space<vmem_shared>>
      tpu.wait_dma2 semaphore(%run_scoped3A : memref<!tpu.dma_semaphore, #tpu.memory_space<semaphore_mem>>) src(%dma_wait3A_96 : memref<128x128xf32, #tpu.memory_space<vmem_shared>>) dst(%arg8 : memref<128x128xf32, #tpu.memory_space<vmem>>)
      tpu.yield
    }) : () -> ()
    %mul3A_40 = arith.constant 10240 : i32
    %mul3A_41 = arith.muli %arg0, %mul3A_40 : i32
    %mul3A_42 = arith.constant 640 : i32
    %mul3A_43 = arith.muli %arg1, %mul3A_42 : i32
    %add3A_44 = arith.addi %mul3A_41, %mul3A_43 : i32
    %add3A_45 = arith.constant 0 : i32
    %add3A_46 = arith.addi %add3A_44, %add3A_45 : i32
    "tpu.region"() ({
      %run_scoped3A = tpu.sem_alloc : memref<!tpu.dma_semaphore, #tpu.memory_space<semaphore_mem>>
      %dma_start3A = arith.constant 0 : i32
      %dma_start3A_91 = tpu.memref_slice %arg5[%add3A_46, %dma_start3A] : memref<20480x128xf32, #tpu.memory_space<hbm>> -> memref<128x128xf32, #tpu.memory_space<hbm>>
      %dma_start3A_92 = arith.constant 0 : i32
      %dma_start3A_93 = tpu.memref_slice %arg5[%add3A_46, %dma_start3A_92] : memref<20480x128xf32, #tpu.memory_space<hbm>> -> memref<128x128xf32, #tpu.memory_space<hbm>>
      tpu.enqueue_dma source(%arg8 : memref<128x128xf32, #tpu.memory_space<vmem>>) target(%dma_start3A_93 : memref<128x128xf32, #tpu.memory_space<hbm>>) target_semaphore(%run_scoped3A : memref<!tpu.dma_semaphore, #tpu.memory_space<semaphore_mem>>)
      %dma_wait3A = arith.constant 0 : i32
      %dma_wait3A_94 = tpu.memref_slice %arg5[%add3A_46, %dma_wait3A] : memref<20480x128xf32, #tpu.memory_space<hbm>> -> memref<128x128xf32, #tpu.memory_space<hbm>>
      %dma_wait3A_95 = arith.constant 0 : i32
      %dma_wait3A_96 = tpu.memref_slice %arg5[%add3A_46, %dma_wait3A_95] : memref<20480x128xf32, #tpu.memory_space<hbm>> -> memref<128x128xf32, #tpu.memory_space<hbm>>
      tpu.wait_dma2 semaphore(%run_scoped3A : memref<!tpu.dma_semaphore, #tpu.memory_space<semaphore_mem>>) src(%arg8 : memref<128x128xf32, #tpu.memory_space<vmem>>) dst(%dma_wait3A_96 : memref<128x128xf32, #tpu.memory_space<hbm>>)
      tpu.yield
    }) : () -> ()
    %mul3A_47 = arith.constant 640 : i32
    %mul3A_48 = arith.muli %arg1, %mul3A_47 : i32
    %add3A_49 = arith.constant 128 : i32
    %add3A_50 = arith.addi %mul3A_48, %add3A_49 : i32
    "tpu.region"() ({
      %run_scoped3A = tpu.sem_alloc : memref<!tpu.dma_semaphore, #tpu.memory_space<semaphore_mem>>
      %dma_start3A = arith.constant 0 : i32
      %dma_start3A_91 = tpu.memref_slice %arg9[%add3A_50, %dma_start3A] : memref<10240x128xf32, #tpu.memory_space<vmem_shared>> -> memref<128x128xf32, #tpu.memory_space<vmem_shared>>
      %dma_start3A_92 = arith.constant 0 : i32
      %dma_start3A_93 = tpu.memref_slice %arg9[%add3A_50, %dma_start3A_92] : memref<10240x128xf32, #tpu.memory_space<vmem_shared>> -> memref<128x128xf32, #tpu.memory_space<vmem_shared>>
      tpu.enqueue_dma source(%dma_start3A_93 : memref<128x128xf32, #tpu.memory_space<vmem_shared>>) target(%arg8 : memref<128x128xf32, #tpu.memory_space<vmem>>) target_semaphore(%run_scoped3A : memref<!tpu.dma_semaphore, #tpu.memory_space<semaphore_mem>>)
      %dma_wait3A = arith.constant 0 : i32
      %dma_wait3A_94 = tpu.memref_slice %arg9[%add3A_50, %dma_wait3A] : memref<10240x128xf32, #tpu.memory_space<vmem_shared>> -> memref<128x128xf32, #tpu.memory_space<vmem_shared>>
      %dma_wait3A_95 = arith.constant 0 : i32
      %dma_wait3A_96 = tpu.memref_slice %arg9[%add3A_50, %dma_wait3A_95] : memref<10240x128xf32, #tpu.memory_space<vmem_shared>> -> memref<128x128xf32, #tpu.memory_space<vmem_shared>>
      tpu.wait_dma2 semaphore(%run_scoped3A : memref<!tpu.dma_semaphore, #tpu.memory_space<semaphore_mem>>) src(%dma_wait3A_96 : memref<128x128xf32, #tpu.memory_space<vmem_shared>>) dst(%arg8 : memref<128x128xf32, #tpu.memory_space<vmem>>)
      tpu.yield
    }) : () -> ()
    %mul3A_51 = arith.constant 10240 : i32
    %mul3A_52 = arith.muli %arg0, %mul3A_51 : i32
    %mul3A_53 = arith.constant 640 : i32
    %mul3A_54 = arith.muli %arg1, %mul3A_53 : i32
    %add3A_55 = arith.addi %mul3A_52, %mul3A_54 : i32
    %add3A_56 = arith.constant 128 : i32
    %add3A_57 = arith.addi %add3A_55, %add3A_56 : i32
    "tpu.region"() ({
      %run_scoped3A = tpu.sem_alloc : memref<!tpu.dma_semaphore, #tpu.memory_space<semaphore_mem>>
      %dma_start3A = arith.constant 0 : i32
      %dma_start3A_91 = tpu.memref_slice %arg5[%add3A_57, %dma_start3A] : memref<20480x128xf32, #tpu.memory_space<hbm>> -> memref<128x128xf32, #tpu.memory_space<hbm>>
      %dma_start3A_92 = arith.constant 0 : i32
      %dma_start3A_93 = tpu.memref_slice %arg5[%add3A_57, %dma_start3A_92] : memref<20480x128xf32, #tpu.memory_space<hbm>> -> memref<128x128xf32, #tpu.memory_space<hbm>>
      tpu.enqueue_dma source(%arg8 : memref<128x128xf32, #tpu.memory_space<vmem>>) target(%dma_start3A_93 : memref<128x128xf32, #tpu.memory_space<hbm>>) target_semaphore(%run_scoped3A : memref<!tpu.dma_semaphore, #tpu.memory_space<semaphore_mem>>)
      %dma_wait3A = arith.constant 0 : i32
      %dma_wait3A_94 = tpu.memref_slice %arg5[%add3A_57, %dma_wait3A] : memref<20480x128xf32, #tpu.memory_space<hbm>> -> memref<128x128xf32, #tpu.memory_space<hbm>>
      %dma_wait3A_95 = arith.constant 0 : i32
      %dma_wait3A_96 = tpu.memref_slice %arg5[%add3A_57, %dma_wait3A_95] : memref<20480x128xf32, #tpu.memory_space<hbm>> -> memref<128x128xf32, #tpu.memory_space<hbm>>
      tpu.wait_dma2 semaphore(%run_scoped3A : memref<!tpu.dma_semaphore, #tpu.memory_space<semaphore_mem>>) src(%arg8 : memref<128x128xf32, #tpu.memory_space<vmem>>) dst(%dma_wait3A_96 : memref<128x128xf32, #tpu.memory_space<hbm>>)
      tpu.yield
    }) : () -> ()
    %mul3A_58 = arith.constant 640 : i32
    %mul3A_59 = arith.muli %arg1, %mul3A_58 : i32
    %add3A_60 = arith.constant 256 : i32
    %add3A_61 = arith.addi %mul3A_59, %add3A_60 : i32
    "tpu.region"() ({
      %run_scoped3A = tpu.sem_alloc : memref<!tpu.dma_semaphore, #tpu.memory_space<semaphore_mem>>
      %dma_start3A = arith.constant 0 : i32
      %dma_start3A_91 = tpu.memref_slice %arg9[%add3A_61, %dma_start3A] : memref<10240x128xf32, #tpu.memory_space<vmem_shared>> -> memref<128x128xf32, #tpu.memory_space<vmem_shared>>
      %dma_start3A_92 = arith.constant 0 : i32
      %dma_start3A_93 = tpu.memref_slice %arg9[%add3A_61, %dma_start3A_92] : memref<10240x128xf32, #tpu.memory_space<vmem_shared>> -> memref<128x128xf32, #tpu.memory_space<vmem_shared>>
      tpu.enqueue_dma source(%dma_start3A_93 : memref<128x128xf32, #tpu.memory_space<vmem_shared>>) target(%arg8 : memref<128x128xf32, #tpu.memory_space<vmem>>) target_semaphore(%run_scoped3A : memref<!tpu.dma_semaphore, #tpu.memory_space<semaphore_mem>>)
      %dma_wait3A = arith.constant 0 : i32
      %dma_wait3A_94 = tpu.memref_slice %arg9[%add3A_61, %dma_wait3A] : memref<10240x128xf32, #tpu.memory_space<vmem_shared>> -> memref<128x128xf32, #tpu.memory_space<vmem_shared>>
      %dma_wait3A_95 = arith.constant 0 : i32
      %dma_wait3A_96 = tpu.memref_slice %arg9[%add3A_61, %dma_wait3A_95] : memref<10240x128xf32, #tpu.memory_space<vmem_shared>> -> memref<128x128xf32, #tpu.memory_space<vmem_shared>>
      tpu.wait_dma2 semaphore(%run_scoped3A : memref<!tpu.dma_semaphore, #tpu.memory_space<semaphore_mem>>) src(%dma_wait3A_96 : memref<128x128xf32, #tpu.memory_space<vmem_shared>>) dst(%arg8 : memref<128x128xf32, #tpu.memory_space<vmem>>)
      tpu.yield
    }) : () -> ()
    %mul3A_62 = arith.constant 10240 : i32
    %mul3A_63 = arith.muli %arg0, %mul3A_62 : i32
    %mul3A_64 = arith.constant 640 : i32
    %mul3A_65 = arith.muli %arg1, %mul3A_64 : i32
    %add3A_66 = arith.addi %mul3A_63, %mul3A_65 : i32
    %add3A_67 = arith.constant 256 : i32
    %add3A_68 = arith.addi %add3A_66, %add3A_67 : i32
    "tpu.region"() ({
      %run_scoped3A = tpu.sem_alloc : memref<!tpu.dma_semaphore, #tpu.memory_space<semaphore_mem>>
      %dma_start3A = arith.constant 0 : i32
      %dma_start3A_91 = tpu.memref_slice %arg5[%add3A_68, %dma_start3A] : memref<20480x128xf32, #tpu.memory_space<hbm>> -> memref<128x128xf32, #tpu.memory_space<hbm>>
      %dma_start3A_92 = arith.constant 0 : i32
      %dma_start3A_93 = tpu.memref_slice %arg5[%add3A_68, %dma_start3A_92] : memref<20480x128xf32, #tpu.memory_space<hbm>> -> memref<128x128xf32, #tpu.memory_space<hbm>>
      tpu.enqueue_dma source(%arg8 : memref<128x128xf32, #tpu.memory_space<vmem>>) target(%dma_start3A_93 : memref<128x128xf32, #tpu.memory_space<hbm>>) target_semaphore(%run_scoped3A : memref<!tpu.dma_semaphore, #tpu.memory_space<semaphore_mem>>)
      %dma_wait3A = arith.constant 0 : i32
      %dma_wait3A_94 = tpu.memref_slice %arg5[%add3A_68, %dma_wait3A] : memref<20480x128xf32, #tpu.memory_space<hbm>> -> memref<128x128xf32, #tpu.memory_space<hbm>>
      %dma_wait3A_95 = arith.constant 0 : i32
      %dma_wait3A_96 = tpu.memref_slice %arg5[%add3A_68, %dma_wait3A_95] : memref<20480x128xf32, #tpu.memory_space<hbm>> -> memref<128x128xf32, #tpu.memory_space<hbm>>
      tpu.wait_dma2 semaphore(%run_scoped3A : memref<!tpu.dma_semaphore, #tpu.memory_space<semaphore_mem>>) src(%arg8 : memref<128x128xf32, #tpu.memory_space<vmem>>) dst(%dma_wait3A_96 : memref<128x128xf32, #tpu.memory_space<hbm>>)
      tpu.yield
    }) : () -> ()
    %mul3A_69 = arith.constant 640 : i32
    %mul3A_70 = arith.muli %arg1, %mul3A_69 : i32
    %add3A_71 = arith.constant 384 : i32
    %add3A_72 = arith.addi %mul3A_70, %add3A_71 : i32
    "tpu.region"() ({
      %run_scoped3A = tpu.sem_alloc : memref<!tpu.dma_semaphore, #tpu.memory_space<semaphore_mem>>
      %dma_start3A = arith.constant 0 : i32
      %dma_start3A_91 = tpu.memref_slice %arg9[%add3A_72, %dma_start3A] : memref<10240x128xf32, #tpu.memory_space<vmem_shared>> -> memref<128x128xf32, #tpu.memory_space<vmem_shared>>
      %dma_start3A_92 = arith.constant 0 : i32
      %dma_start3A_93 = tpu.memref_slice %arg9[%add3A_72, %dma_start3A_92] : memref<10240x128xf32, #tpu.memory_space<vmem_shared>> -> memref<128x128xf32, #tpu.memory_space<vmem_shared>>
      tpu.enqueue_dma source(%dma_start3A_93 : memref<128x128xf32, #tpu.memory_space<vmem_shared>>) target(%arg8 : memref<128x128xf32, #tpu.memory_space<vmem>>) target_semaphore(%run_scoped3A : memref<!tpu.dma_semaphore, #tpu.memory_space<semaphore_mem>>)
      %dma_wait3A = arith.constant 0 : i32
      %dma_wait3A_94 = tpu.memref_slice %arg9[%add3A_72, %dma_wait3A] : memref<10240x128xf32, #tpu.memory_space<vmem_shared>> -> memref<128x128xf32, #tpu.memory_space<vmem_shared>>
      %dma_wait3A_95 = arith.constant 0 : i32
      %dma_wait3A_96 = tpu.memref_slice %arg9[%add3A_72, %dma_wait3A_95] : memref<10240x128xf32, #tpu.memory_space<vmem_shared>> -> memref<128x128xf32, #tpu.memory_space<vmem_shared>>
      tpu.wait_dma2 semaphore(%run_scoped3A : memref<!tpu.dma_semaphore, #tpu.memory_space<semaphore_mem>>) src(%dma_wait3A_96 : memref<128x128xf32, #tpu.memory_space<vmem_shared>>) dst(%arg8 : memref<128x128xf32, #tpu.memory_space<vmem>>)
      tpu.yield
    }) : () -> ()
    %mul3A_73 = arith.constant 10240 : i32
    %mul3A_74 = arith.muli %arg0, %mul3A_73 : i32
    %mul3A_75 = arith.constant 640 : i32
    %mul3A_76 = arith.muli %arg1, %mul3A_75 : i32
    %add3A_77 = arith.addi %mul3A_74, %mul3A_76 : i32
    %add3A_78 = arith.constant 384 : i32
    %add3A_79 = arith.addi %add3A_77, %add3A_78 : i32
    "tpu.region"() ({
      %run_scoped3A = tpu.sem_alloc : memref<!tpu.dma_semaphore, #tpu.memory_space<semaphore_mem>>
      %dma_start3A = arith.constant 0 : i32
      %dma_start3A_91 = tpu.memref_slice %arg5[%add3A_79, %dma_start3A] : memref<20480x128xf32, #tpu.memory_space<hbm>> -> memref<128x128xf32, #tpu.memory_space<hbm>>
      %dma_start3A_92 = arith.constant 0 : i32
      %dma_start3A_93 = tpu.memref_slice %arg5[%add3A_79, %dma_start3A_92] : memref<20480x128xf32, #tpu.memory_space<hbm>> -> memref<128x128xf32, #tpu.memory_space<hbm>>
      tpu.enqueue_dma source(%arg8 : memref<128x128xf32, #tpu.memory_space<vmem>>) target(%dma_start3A_93 : memref<128x128xf32, #tpu.memory_space<hbm>>) target_semaphore(%run_scoped3A : memref<!tpu.dma_semaphore, #tpu.memory_space<semaphore_mem>>)
      %dma_wait3A = arith.constant 0 : i32
      %dma_wait3A_94 = tpu.memref_slice %arg5[%add3A_79, %dma_wait3A] : memref<20480x128xf32, #tpu.memory_space<hbm>> -> memref<128x128xf32, #tpu.memory_space<hbm>>
      %dma_wait3A_95 = arith.constant 0 : i32
      %dma_wait3A_96 = tpu.memref_slice %arg5[%add3A_79, %dma_wait3A_95] : memref<20480x128xf32, #tpu.memory_space<hbm>> -> memref<128x128xf32, #tpu.memory_space<hbm>>
      tpu.wait_dma2 semaphore(%run_scoped3A : memref<!tpu.dma_semaphore, #tpu.memory_space<semaphore_mem>>) src(%arg8 : memref<128x128xf32, #tpu.memory_space<vmem>>) dst(%dma_wait3A_96 : memref<128x128xf32, #tpu.memory_space<hbm>>)
      tpu.yield
    }) : () -> ()
    %mul3A_80 = arith.constant 640 : i32
    %mul3A_81 = arith.muli %arg1, %mul3A_80 : i32
    %add3A_82 = arith.constant 512 : i32
    %add3A_83 = arith.addi %mul3A_81, %add3A_82 : i32
    "tpu.region"() ({
      %run_scoped3A = tpu.sem_alloc : memref<!tpu.dma_semaphore, #tpu.memory_space<semaphore_mem>>
      %dma_start3A = arith.constant 0 : i32
      %dma_start3A_91 = tpu.memref_slice %arg9[%add3A_83, %dma_start3A] : memref<10240x128xf32, #tpu.memory_space<vmem_shared>> -> memref<128x128xf32, #tpu.memory_space<vmem_shared>>
      %dma_start3A_92 = arith.constant 0 : i32
      %dma_start3A_93 = tpu.memref_slice %arg9[%add3A_83, %dma_start3A_92] : memref<10240x128xf32, #tpu.memory_space<vmem_shared>> -> memref<128x128xf32, #tpu.memory_space<vmem_shared>>
      tpu.enqueue_dma source(%dma_start3A_93 : memref<128x128xf32, #tpu.memory_space<vmem_shared>>) target(%arg8 : memref<128x128xf32, #tpu.memory_space<vmem>>) target_semaphore(%run_scoped3A : memref<!tpu.dma_semaphore, #tpu.memory_space<semaphore_mem>>)
      %dma_wait3A = arith.constant 0 : i32
      %dma_wait3A_94 = tpu.memref_slice %arg9[%add3A_83, %dma_wait3A] : memref<10240x128xf32, #tpu.memory_space<vmem_shared>> -> memref<128x128xf32, #tpu.memory_space<vmem_shared>>
      %dma_wait3A_95 = arith.constant 0 : i32
      %dma_wait3A_96 = tpu.memref_slice %arg9[%add3A_83, %dma_wait3A_95] : memref<10240x128xf32, #tpu.memory_space<vmem_shared>> -> memref<128x128xf32, #tpu.memory_space<vmem_shared>>
      tpu.wait_dma2 semaphore(%run_scoped3A : memref<!tpu.dma_semaphore, #tpu.memory_space<semaphore_mem>>) src(%dma_wait3A_96 : memref<128x128xf32, #tpu.memory_space<vmem_shared>>) dst(%arg8 : memref<128x128xf32, #tpu.memory_space<vmem>>)
      tpu.yield
    }) : () -> ()
    %mul3A_84 = arith.constant 10240 : i32
    %mul3A_85 = arith.muli %arg0, %mul3A_84 : i32
    %mul3A_86 = arith.constant 640 : i32
    %mul3A_87 = arith.muli %arg1, %mul3A_86 : i32
    %add3A_88 = arith.addi %mul3A_85, %mul3A_87 : i32
    %add3A_89 = arith.constant 512 : i32
    %add3A_90 = arith.addi %add3A_88, %add3A_89 : i32
    "tpu.region"() ({
      %run_scoped3A = tpu.sem_alloc : memref<!tpu.dma_semaphore, #tpu.memory_space<semaphore_mem>>
      %dma_start3A = arith.constant 0 : i32
      %dma_start3A_91 = tpu.memref_slice %arg5[%add3A_90, %dma_start3A] : memref<20480x128xf32, #tpu.memory_space<hbm>> -> memref<128x128xf32, #tpu.memory_space<hbm>>
      %dma_start3A_92 = arith.constant 0 : i32
      %dma_start3A_93 = tpu.memref_slice %arg5[%add3A_90, %dma_start3A_92] : memref<20480x128xf32, #tpu.memory_space<hbm>> -> memref<128x128xf32, #tpu.memory_space<hbm>>
      tpu.enqueue_dma source(%arg8 : memref<128x128xf32, #tpu.memory_space<vmem>>) target(%dma_start3A_93 : memref<128x128xf32, #tpu.memory_space<hbm>>) target_semaphore(%run_scoped3A : memref<!tpu.dma_semaphore, #tpu.memory_space<semaphore_mem>>)
      %dma_wait3A = arith.constant 0 : i32
      %dma_wait3A_94 = tpu.memref_slice %arg5[%add3A_90, %dma_wait3A] : memref<20480x128xf32, #tpu.memory_space<hbm>> -> memref<128x128xf32, #tpu.memory_space<hbm>>
      %dma_wait3A_95 = arith.constant 0 : i32
      %dma_wait3A_96 = tpu.memref_slice %arg5[%add3A_90, %dma_wait3A_95] : memref<20480x128xf32, #tpu.memory_space<hbm>> -> memref<128x128xf32, #tpu.memory_space<hbm>>
      tpu.wait_dma2 semaphore(%run_scoped3A : memref<!tpu.dma_semaphore, #tpu.memory_space<semaphore_mem>>) src(%arg8 : memref<128x128xf32, #tpu.memory_space<vmem>>) dst(%dma_wait3A_96 : memref<128x128xf32, #tpu.memory_space<hbm>>)
      tpu.yield
    }) : () -> ()
    return
  }
}

#map = affine_map<(d0, d1) -> (0, 0)>
module attributes {stable_mosaic.version = 14 : i64} {
  func.func @_sc_aggregate(%arg0: i32, %arg1: i32, %arg2: memref<128x128xf32, #tpu.memory_space<hbm>>, %arg3: memref<5000x128xi32, #tpu.memory_space<hbm>>, %arg4: memref<10240x128xf32, #tpu.memory_space<hbm>>, %arg5: memref<20480x128xf32, #tpu.memory_space<hbm>>, %arg6: memref<2x128xi32, #tpu.memory_space<vmem>>, %arg7: memref<128x128xf32, #tpu.memory_space<vmem>>, %arg8: memref<128x128xf32, #tpu.memory_space<vmem>>, %arg9: memref<10240x128xf32, #tpu.memory_space<vmem_shared>>, %arg10: memref<!tpu.dma_semaphore, #tpu.memory_space<semaphore_mem>>) attributes {dimension_semantics = [#tpu.dimension_semantics<core_parallel>, #tpu.dimension_semantics<subcore_parallel>], iteration_bounds = array<i64: 2, 16>, scalar_prefetch = 0 : i64, scratch_operands = 5 : i64, tpu.core_type = #tpu.core_type<sc_vector_subcore>, window_params = [{transform_indices = #map}, {transform_indices = #map}, {transform_indices = #map}, {transform_indices = #map}]} {
    %mul3A = arith.constant 2 : i32
    %mul3A_0 = arith.muli %arg1, %mul3A : i32
    %add3A = arith.addi %mul3A_0, %arg0 : i32
    "tpu.region"() ({
      %run_scoped3A = tpu.sem_alloc : memref<!tpu.dma_semaphore, #tpu.memory_space<semaphore_mem>>
      tpu.enqueue_dma source(%arg2 : memref<128x128xf32, #tpu.memory_space<hbm>>) target(%arg8 : memref<128x128xf32, #tpu.memory_space<vmem>>) target_semaphore(%run_scoped3A : memref<!tpu.dma_semaphore, #tpu.memory_space<semaphore_mem>>)
      tpu.wait_dma2 semaphore(%run_scoped3A : memref<!tpu.dma_semaphore, #tpu.memory_space<semaphore_mem>>) src(%arg2 : memref<128x128xf32, #tpu.memory_space<hbm>>) dst(%arg8 : memref<128x128xf32, #tpu.memory_space<vmem>>)
      tpu.yield
    }) : () -> ()
    %mul3A_1 = arith.constant 640 : i32
    %mul3A_2 = arith.muli %arg1, %mul3A_1 : i32
    %add3A_3 = arith.constant 0 : i32
    %add3A_4 = arith.addi %mul3A_2, %add3A_3 : i32
    "tpu.region"() ({
      %run_scoped3A = tpu.sem_alloc : memref<!tpu.dma_semaphore, #tpu.memory_space<semaphore_mem>>
      %dma_start3A = arith.constant 0 : i32
      %dma_start3A_91 = tpu.memref_slice %arg9[%add3A_4, %dma_start3A] : memref<10240x128xf32, #tpu.memory_space<vmem_shared>> -> memref<128x128xf32, #tpu.memory_space<vmem_shared>>
      %dma_start3A_92 = arith.constant 0 : i32
      %dma_start3A_93 = tpu.memref_slice %arg9[%add3A_4, %dma_start3A_92] : memref<10240x128xf32, #tpu.memory_space<vmem_shared>> -> memref<128x128xf32, #tpu.memory_space<vmem_shared>>
      tpu.enqueue_dma source(%arg8 : memref<128x128xf32, #tpu.memory_space<vmem>>) target(%dma_start3A_93 : memref<128x128xf32, #tpu.memory_space<vmem_shared>>) target_semaphore(%run_scoped3A : memref<!tpu.dma_semaphore, #tpu.memory_space<semaphore_mem>>)
      %dma_wait3A = arith.constant 0 : i32
      %dma_wait3A_94 = tpu.memref_slice %arg9[%add3A_4, %dma_wait3A] : memref<10240x128xf32, #tpu.memory_space<vmem_shared>> -> memref<128x128xf32, #tpu.memory_space<vmem_shared>>
      %dma_wait3A_95 = arith.constant 0 : i32
      %dma_wait3A_96 = tpu.memref_slice %arg9[%add3A_4, %dma_wait3A_95] : memref<10240x128xf32, #tpu.memory_space<vmem_shared>> -> memref<128x128xf32, #tpu.memory_space<vmem_shared>>
      tpu.wait_dma2 semaphore(%run_scoped3A : memref<!tpu.dma_semaphore, #tpu.memory_space<semaphore_mem>>) src(%arg8 : memref<128x128xf32, #tpu.memory_space<vmem>>) dst(%dma_wait3A_96 : memref<128x128xf32, #tpu.memory_space<vmem_shared>>)
      tpu.yield
    }) : () -> ()
    %mul3A_5 = arith.constant 640 : i32
    %mul3A_6 = arith.muli %arg1, %mul3A_5 : i32
    %add3A_7 = arith.constant 128 : i32
    %add3A_8 = arith.addi %mul3A_6, %add3A_7 : i32
    "tpu.region"() ({
      %run_scoped3A = tpu.sem_alloc : memref<!tpu.dma_semaphore, #tpu.memory_space<semaphore_mem>>
      %dma_start3A = arith.constant 0 : i32
      %dma_start3A_91 = tpu.memref_slice %arg9[%add3A_8, %dma_start3A] : memref<10240x128xf32, #tpu.memory_space<vmem_shared>> -> memref<128x128xf32, #tpu.memory_space<vmem_shared>>
      %dma_start3A_92 = arith.constant 0 : i32
      %dma_start3A_93 = tpu.memref_slice %arg9[%add3A_8, %dma_start3A_92] : memref<10240x128xf32, #tpu.memory_space<vmem_shared>> -> memref<128x128xf32, #tpu.memory_space<vmem_shared>>
      tpu.enqueue_dma source(%arg8 : memref<128x128xf32, #tpu.memory_space<vmem>>) target(%dma_start3A_93 : memref<128x128xf32, #tpu.memory_space<vmem_shared>>) target_semaphore(%run_scoped3A : memref<!tpu.dma_semaphore, #tpu.memory_space<semaphore_mem>>)
      %dma_wait3A = arith.constant 0 : i32
      %dma_wait3A_94 = tpu.memref_slice %arg9[%add3A_8, %dma_wait3A] : memref<10240x128xf32, #tpu.memory_space<vmem_shared>> -> memref<128x128xf32, #tpu.memory_space<vmem_shared>>
      %dma_wait3A_95 = arith.constant 0 : i32
      %dma_wait3A_96 = tpu.memref_slice %arg9[%add3A_8, %dma_wait3A_95] : memref<10240x128xf32, #tpu.memory_space<vmem_shared>> -> memref<128x128xf32, #tpu.memory_space<vmem_shared>>
      tpu.wait_dma2 semaphore(%run_scoped3A : memref<!tpu.dma_semaphore, #tpu.memory_space<semaphore_mem>>) src(%arg8 : memref<128x128xf32, #tpu.memory_space<vmem>>) dst(%dma_wait3A_96 : memref<128x128xf32, #tpu.memory_space<vmem_shared>>)
      tpu.yield
    }) : () -> ()
    %mul3A_9 = arith.constant 640 : i32
    %mul3A_10 = arith.muli %arg1, %mul3A_9 : i32
    %add3A_11 = arith.constant 256 : i32
    %add3A_12 = arith.addi %mul3A_10, %add3A_11 : i32
    "tpu.region"() ({
      %run_scoped3A = tpu.sem_alloc : memref<!tpu.dma_semaphore, #tpu.memory_space<semaphore_mem>>
      %dma_start3A = arith.constant 0 : i32
      %dma_start3A_91 = tpu.memref_slice %arg9[%add3A_12, %dma_start3A] : memref<10240x128xf32, #tpu.memory_space<vmem_shared>> -> memref<128x128xf32, #tpu.memory_space<vmem_shared>>
      %dma_start3A_92 = arith.constant 0 : i32
      %dma_start3A_93 = tpu.memref_slice %arg9[%add3A_12, %dma_start3A_92] : memref<10240x128xf32, #tpu.memory_space<vmem_shared>> -> memref<128x128xf32, #tpu.memory_space<vmem_shared>>
      tpu.enqueue_dma source(%arg8 : memref<128x128xf32, #tpu.memory_space<vmem>>) target(%dma_start3A_93 : memref<128x128xf32, #tpu.memory_space<vmem_shared>>) target_semaphore(%run_scoped3A : memref<!tpu.dma_semaphore, #tpu.memory_space<semaphore_mem>>)
      %dma_wait3A = arith.constant 0 : i32
      %dma_wait3A_94 = tpu.memref_slice %arg9[%add3A_12, %dma_wait3A] : memref<10240x128xf32, #tpu.memory_space<vmem_shared>> -> memref<128x128xf32, #tpu.memory_space<vmem_shared>>
      %dma_wait3A_95 = arith.constant 0 : i32
      %dma_wait3A_96 = tpu.memref_slice %arg9[%add3A_12, %dma_wait3A_95] : memref<10240x128xf32, #tpu.memory_space<vmem_shared>> -> memref<128x128xf32, #tpu.memory_space<vmem_shared>>
      tpu.wait_dma2 semaphore(%run_scoped3A : memref<!tpu.dma_semaphore, #tpu.memory_space<semaphore_mem>>) src(%arg8 : memref<128x128xf32, #tpu.memory_space<vmem>>) dst(%dma_wait3A_96 : memref<128x128xf32, #tpu.memory_space<vmem_shared>>)
      tpu.yield
    }) : () -> ()
    %mul3A_13 = arith.constant 640 : i32
    %mul3A_14 = arith.muli %arg1, %mul3A_13 : i32
    %add3A_15 = arith.constant 384 : i32
    %add3A_16 = arith.addi %mul3A_14, %add3A_15 : i32
    "tpu.region"() ({
      %run_scoped3A = tpu.sem_alloc : memref<!tpu.dma_semaphore, #tpu.memory_space<semaphore_mem>>
      %dma_start3A = arith.constant 0 : i32
      %dma_start3A_91 = tpu.memref_slice %arg9[%add3A_16, %dma_start3A] : memref<10240x128xf32, #tpu.memory_space<vmem_shared>> -> memref<128x128xf32, #tpu.memory_space<vmem_shared>>
      %dma_start3A_92 = arith.constant 0 : i32
      %dma_start3A_93 = tpu.memref_slice %arg9[%add3A_16, %dma_start3A_92] : memref<10240x128xf32, #tpu.memory_space<vmem_shared>> -> memref<128x128xf32, #tpu.memory_space<vmem_shared>>
      tpu.enqueue_dma source(%arg8 : memref<128x128xf32, #tpu.memory_space<vmem>>) target(%dma_start3A_93 : memref<128x128xf32, #tpu.memory_space<vmem_shared>>) target_semaphore(%run_scoped3A : memref<!tpu.dma_semaphore, #tpu.memory_space<semaphore_mem>>)
      %dma_wait3A = arith.constant 0 : i32
      %dma_wait3A_94 = tpu.memref_slice %arg9[%add3A_16, %dma_wait3A] : memref<10240x128xf32, #tpu.memory_space<vmem_shared>> -> memref<128x128xf32, #tpu.memory_space<vmem_shared>>
      %dma_wait3A_95 = arith.constant 0 : i32
      %dma_wait3A_96 = tpu.memref_slice %arg9[%add3A_16, %dma_wait3A_95] : memref<10240x128xf32, #tpu.memory_space<vmem_shared>> -> memref<128x128xf32, #tpu.memory_space<vmem_shared>>
      tpu.wait_dma2 semaphore(%run_scoped3A : memref<!tpu.dma_semaphore, #tpu.memory_space<semaphore_mem>>) src(%arg8 : memref<128x128xf32, #tpu.memory_space<vmem>>) dst(%dma_wait3A_96 : memref<128x128xf32, #tpu.memory_space<vmem_shared>>)
      tpu.yield
    }) : () -> ()
    %mul3A_17 = arith.constant 640 : i32
    %mul3A_18 = arith.muli %arg1, %mul3A_17 : i32
    %add3A_19 = arith.constant 512 : i32
    %add3A_20 = arith.addi %mul3A_18, %add3A_19 : i32
    "tpu.region"() ({
      %run_scoped3A = tpu.sem_alloc : memref<!tpu.dma_semaphore, #tpu.memory_space<semaphore_mem>>
      %dma_start3A = arith.constant 0 : i32
      %dma_start3A_91 = tpu.memref_slice %arg9[%add3A_20, %dma_start3A] : memref<10240x128xf32, #tpu.memory_space<vmem_shared>> -> memref<128x128xf32, #tpu.memory_space<vmem_shared>>
      %dma_start3A_92 = arith.constant 0 : i32
      %dma_start3A_93 = tpu.memref_slice %arg9[%add3A_20, %dma_start3A_92] : memref<10240x128xf32, #tpu.memory_space<vmem_shared>> -> memref<128x128xf32, #tpu.memory_space<vmem_shared>>
      tpu.enqueue_dma source(%arg8 : memref<128x128xf32, #tpu.memory_space<vmem>>) target(%dma_start3A_93 : memref<128x128xf32, #tpu.memory_space<vmem_shared>>) target_semaphore(%run_scoped3A : memref<!tpu.dma_semaphore, #tpu.memory_space<semaphore_mem>>)
      %dma_wait3A = arith.constant 0 : i32
      %dma_wait3A_94 = tpu.memref_slice %arg9[%add3A_20, %dma_wait3A] : memref<10240x128xf32, #tpu.memory_space<vmem_shared>> -> memref<128x128xf32, #tpu.memory_space<vmem_shared>>
      %dma_wait3A_95 = arith.constant 0 : i32
      %dma_wait3A_96 = tpu.memref_slice %arg9[%add3A_20, %dma_wait3A_95] : memref<10240x128xf32, #tpu.memory_space<vmem_shared>> -> memref<128x128xf32, #tpu.memory_space<vmem_shared>>
      tpu.wait_dma2 semaphore(%run_scoped3A : memref<!tpu.dma_semaphore, #tpu.memory_space<semaphore_mem>>) src(%arg8 : memref<128x128xf32, #tpu.memory_space<vmem>>) dst(%dma_wait3A_96 : memref<128x128xf32, #tpu.memory_space<vmem_shared>>)
      tpu.yield
    }) : () -> ()
    %barrier3A = arith.constant 0 : index
    tpu.barrier barrier_id(%barrier3A)
    %lt3A = arith.constant 4 : i32
    %lt3A_21 = arith.cmpi slt, %add3A, %lt3A : i32
    %convert_element_type3A = arith.extui %lt3A_21 : i1 to i32
    %add3A_22 = arith.constant 78 : i32
    %add3A_23 = arith.addi %add3A_22, %convert_element_type3A : i32
    %while3A = arith.constant 0 : i32
    %while3A_24 = arith.constant 0 : i32
    %while3A_25 = arith.subi %add3A_23, %while3A : i32
    %while3A_26 = arith.addi %while3A, %while3A_25 : i32
    %while3A_27 = arith.constant 1 : i32
    %while3A_28 = arith.divsi %while3A_25, %while3A_27 : i32
    %while3A_29 = arith.muli %while3A_28, %while3A_27 : i32
    %while3A_30 = arith.addi %while3A, %while3A_29 : i32
    %while3A_31 = arith.constant 1 : i32
    %while3A_32 = scf.for %while3A_91 = %while3A to %while3A_30 step %while3A_31 iter_args(%while3A_92 = %while3A_24) -> (i32)  : i32 {
      %mul3A_93 = arith.constant 32 : i32
      %mul3A_94 = arith.muli %while3A_91, %mul3A_93 : i32
      %add3A_95 = arith.addi %add3A, %mul3A_94 : i32
      %mul3A_96 = arith.constant 2 : i32
      %mul3A_97 = arith.muli %mul3A_96, %add3A_95 : i32
      "tpu.region"() ({
        %run_scoped3A_111 = tpu.sem_alloc : memref<!tpu.dma_semaphore, #tpu.memory_space<semaphore_mem>>
        %dma_start3A_112 = arith.constant 0 : i32
        %dma_start3A_113 = tpu.memref_slice %arg3[%mul3A_97, %dma_start3A_112] : memref<5000x128xi32, #tpu.memory_space<hbm>> -> memref<2x128xi32, #tpu.memory_space<hbm>>
        %dma_start3A_114 = arith.constant 0 : i32
        %dma_start3A_115 = tpu.memref_slice %arg3[%mul3A_97, %dma_start3A_114] : memref<5000x128xi32, #tpu.memory_space<hbm>> -> memref<2x128xi32, #tpu.memory_space<hbm>>
        tpu.enqueue_dma source(%dma_start3A_115 : memref<2x128xi32, #tpu.memory_space<hbm>>) target(%arg6 : memref<2x128xi32, #tpu.memory_space<vmem>>) target_semaphore(%run_scoped3A_111 : memref<!tpu.dma_semaphore, #tpu.memory_space<semaphore_mem>>)
        %dma_wait3A_116 = arith.constant 0 : i32
        %dma_wait3A_117 = tpu.memref_slice %arg3[%mul3A_97, %dma_wait3A_116] : memref<5000x128xi32, #tpu.memory_space<hbm>> -> memref<2x128xi32, #tpu.memory_space<hbm>>
        %dma_wait3A_118 = arith.constant 0 : i32
        %dma_wait3A_119 = tpu.memref_slice %arg3[%mul3A_97, %dma_wait3A_118] : memref<5000x128xi32, #tpu.memory_space<hbm>> -> memref<2x128xi32, #tpu.memory_space<hbm>>
        tpu.wait_dma2 semaphore(%run_scoped3A_111 : memref<!tpu.dma_semaphore, #tpu.memory_space<semaphore_mem>>) src(%dma_wait3A_119 : memref<2x128xi32, #tpu.memory_space<hbm>>) dst(%arg6 : memref<2x128xi32, #tpu.memory_space<vmem>>)
        tpu.yield
      }) : () -> ()
      %dma_start3A = arith.constant 0 : i32
      %dma_start3A_98 = arith.constant 0 : i32
      %dma_start3A_99 = tpu.memref_slice %arg6[%dma_start3A, %dma_start3A_98] : memref<2x128xi32, #tpu.memory_space<vmem>> -> memref<1x128xi32, #tpu.memory_space<vmem>>
      %dma_start3A_100 = tpu.memref_squeeze %dma_start3A_99 : memref<1x128xi32, #tpu.memory_space<vmem>> -> memref<128xi32, #tpu.memory_space<vmem>>
      %dma_start3A_101 = arith.constant 0 : i32
      %dma_start3A_102 = arith.constant 0 : i32
      %dma_start3A_103 = tpu.memref_slice %arg4[%dma_start3A_101, %dma_start3A_102] : memref<10240x128xf32, #tpu.memory_space<hbm>> -> memref<10240x128xf32, #tpu.memory_space<hbm>>
      tpu.enqueue_indirect_dma source(%dma_start3A_103 : memref<10240x128xf32, #tpu.memory_space<hbm>>) target(%arg7 : memref<128x128xf32, #tpu.memory_space<vmem>>) offsets(%dma_start3A_100 : memref<128xi32, #tpu.memory_space<vmem>>) semaphore(%arg10 : memref<!tpu.dma_semaphore, #tpu.memory_space<semaphore_mem>>)
      %dma_wait3A = arith.constant 0 : i32
      %dma_wait3A_104 = arith.constant 0 : i32
      %dma_wait3A_105 = tpu.memref_slice %arg6[%dma_wait3A, %dma_wait3A_104] : memref<2x128xi32, #tpu.memory_space<vmem>> -> memref<1x128xi32, #tpu.memory_space<vmem>>
      %dma_wait3A_106 = tpu.memref_squeeze %dma_wait3A_105 : memref<1x128xi32, #tpu.memory_space<vmem>> -> memref<128xi32, #tpu.memory_space<vmem>>
      %dma_wait3A_107 = arith.constant 0 : i32
      %dma_wait3A_108 = arith.constant 0 : i32
      %dma_wait3A_109 = tpu.memref_slice %arg4[%dma_wait3A_107, %dma_wait3A_108] : memref<10240x128xf32, #tpu.memory_space<hbm>> -> memref<10240x128xf32, #tpu.memory_space<hbm>>
      tpu.wait_indirect_dma semaphore(%arg10 : memref<!tpu.dma_semaphore, #tpu.memory_space<semaphore_mem>>) src(%dma_wait3A_109 : memref<10240x128xf32, #tpu.memory_space<hbm>>) dst(%arg7 : memref<128x128xf32, #tpu.memory_space<vmem>>)
      %run_scoped3A = arith.constant 1 : i32
      "tpu.region"() ({
        %run_scoped3A_111 = tpu.sem_alloc : memref<!tpu.dma_semaphore, #tpu.memory_space<semaphore_mem>>
        %dma_start3A_112 = arith.constant 0 : i32
        %dma_start3A_113 = tpu.memref_slice %arg6[%run_scoped3A, %dma_start3A_112] : memref<2x128xi32, #tpu.memory_space<vmem>> -> memref<1x128xi32, #tpu.memory_space<vmem>>
        %dma_start3A_114 = tpu.memref_squeeze %dma_start3A_113 : memref<1x128xi32, #tpu.memory_space<vmem>> -> memref<128xi32, #tpu.memory_space<vmem>>
        %dma_start3A_115 = arith.constant 0 : i32
        %dma_start3A_116 = arith.constant 0 : i32
        %dma_start3A_117 = tpu.memref_slice %arg9[%dma_start3A_115, %dma_start3A_116] : memref<10240x128xf32, #tpu.memory_space<vmem_shared>> -> memref<10240x128xf32, #tpu.memory_space<vmem_shared>>
        tpu.enqueue_indirect_dma source(%arg7 : memref<128x128xf32, #tpu.memory_space<vmem>>) target(%dma_start3A_117 : memref<10240x128xf32, #tpu.memory_space<vmem_shared>>) offsets(%dma_start3A_114 : memref<128xi32, #tpu.memory_space<vmem>>) semaphore(%run_scoped3A_111 : memref<!tpu.dma_semaphore, #tpu.memory_space<semaphore_mem>>) {add = true}
        %dma_wait3A_118 = arith.constant 0 : i32
        %dma_wait3A_119 = tpu.memref_slice %arg6[%run_scoped3A, %dma_wait3A_118] : memref<2x128xi32, #tpu.memory_space<vmem>> -> memref<1x128xi32, #tpu.memory_space<vmem>>
        %dma_wait3A_120 = tpu.memref_squeeze %dma_wait3A_119 : memref<1x128xi32, #tpu.memory_space<vmem>> -> memref<128xi32, #tpu.memory_space<vmem>>
        %dma_wait3A_121 = arith.constant 0 : i32
        %dma_wait3A_122 = arith.constant 0 : i32
        %dma_wait3A_123 = tpu.memref_slice %arg9[%dma_wait3A_121, %dma_wait3A_122] : memref<10240x128xf32, #tpu.memory_space<vmem_shared>> -> memref<10240x128xf32, #tpu.memory_space<vmem_shared>>
        tpu.wait_indirect_dma semaphore(%run_scoped3A_111 : memref<!tpu.dma_semaphore, #tpu.memory_space<semaphore_mem>>) src(%arg7 : memref<128x128xf32, #tpu.memory_space<vmem>>) dst(%dma_wait3A_123 : memref<10240x128xf32, #tpu.memory_space<vmem_shared>>)
        tpu.yield
      }) : () -> ()
      %while3A_110 = arith.constant 0 : i32
      scf.yield %while3A_110 : i32
    }
    %while3A_33 = arith.constant 1 : i32
    %while3A_34 = scf.for %while3A_91 = %while3A_30 to %while3A_26 step %while3A_33 iter_args(%while3A_92 = %while3A_32) -> (i32)  : i32 {
      %mul3A_93 = arith.constant 32 : i32
      %mul3A_94 = arith.muli %while3A_91, %mul3A_93 : i32
      %add3A_95 = arith.addi %add3A, %mul3A_94 : i32
      %mul3A_96 = arith.constant 2 : i32
      %mul3A_97 = arith.muli %mul3A_96, %add3A_95 : i32
      "tpu.region"() ({
        %run_scoped3A_111 = tpu.sem_alloc : memref<!tpu.dma_semaphore, #tpu.memory_space<semaphore_mem>>
        %dma_start3A_112 = arith.constant 0 : i32
        %dma_start3A_113 = tpu.memref_slice %arg3[%mul3A_97, %dma_start3A_112] : memref<5000x128xi32, #tpu.memory_space<hbm>> -> memref<2x128xi32, #tpu.memory_space<hbm>>
        %dma_start3A_114 = arith.constant 0 : i32
        %dma_start3A_115 = tpu.memref_slice %arg3[%mul3A_97, %dma_start3A_114] : memref<5000x128xi32, #tpu.memory_space<hbm>> -> memref<2x128xi32, #tpu.memory_space<hbm>>
        tpu.enqueue_dma source(%dma_start3A_115 : memref<2x128xi32, #tpu.memory_space<hbm>>) target(%arg6 : memref<2x128xi32, #tpu.memory_space<vmem>>) target_semaphore(%run_scoped3A_111 : memref<!tpu.dma_semaphore, #tpu.memory_space<semaphore_mem>>)
        %dma_wait3A_116 = arith.constant 0 : i32
        %dma_wait3A_117 = tpu.memref_slice %arg3[%mul3A_97, %dma_wait3A_116] : memref<5000x128xi32, #tpu.memory_space<hbm>> -> memref<2x128xi32, #tpu.memory_space<hbm>>
        %dma_wait3A_118 = arith.constant 0 : i32
        %dma_wait3A_119 = tpu.memref_slice %arg3[%mul3A_97, %dma_wait3A_118] : memref<5000x128xi32, #tpu.memory_space<hbm>> -> memref<2x128xi32, #tpu.memory_space<hbm>>
        tpu.wait_dma2 semaphore(%run_scoped3A_111 : memref<!tpu.dma_semaphore, #tpu.memory_space<semaphore_mem>>) src(%dma_wait3A_119 : memref<2x128xi32, #tpu.memory_space<hbm>>) dst(%arg6 : memref<2x128xi32, #tpu.memory_space<vmem>>)
        tpu.yield
      }) : () -> ()
      %dma_start3A = arith.constant 0 : i32
      %dma_start3A_98 = arith.constant 0 : i32
      %dma_start3A_99 = tpu.memref_slice %arg6[%dma_start3A, %dma_start3A_98] : memref<2x128xi32, #tpu.memory_space<vmem>> -> memref<1x128xi32, #tpu.memory_space<vmem>>
      %dma_start3A_100 = tpu.memref_squeeze %dma_start3A_99 : memref<1x128xi32, #tpu.memory_space<vmem>> -> memref<128xi32, #tpu.memory_space<vmem>>
      %dma_start3A_101 = arith.constant 0 : i32
      %dma_start3A_102 = arith.constant 0 : i32
      %dma_start3A_103 = tpu.memref_slice %arg4[%dma_start3A_101, %dma_start3A_102] : memref<10240x128xf32, #tpu.memory_space<hbm>> -> memref<10240x128xf32, #tpu.memory_space<hbm>>
      tpu.enqueue_indirect_dma source(%dma_start3A_103 : memref<10240x128xf32, #tpu.memory_space<hbm>>) target(%arg7 : memref<128x128xf32, #tpu.memory_space<vmem>>) offsets(%dma_start3A_100 : memref<128xi32, #tpu.memory_space<vmem>>) semaphore(%arg10 : memref<!tpu.dma_semaphore, #tpu.memory_space<semaphore_mem>>)
      %dma_wait3A = arith.constant 0 : i32
      %dma_wait3A_104 = arith.constant 0 : i32
      %dma_wait3A_105 = tpu.memref_slice %arg6[%dma_wait3A, %dma_wait3A_104] : memref<2x128xi32, #tpu.memory_space<vmem>> -> memref<1x128xi32, #tpu.memory_space<vmem>>
      %dma_wait3A_106 = tpu.memref_squeeze %dma_wait3A_105 : memref<1x128xi32, #tpu.memory_space<vmem>> -> memref<128xi32, #tpu.memory_space<vmem>>
      %dma_wait3A_107 = arith.constant 0 : i32
      %dma_wait3A_108 = arith.constant 0 : i32
      %dma_wait3A_109 = tpu.memref_slice %arg4[%dma_wait3A_107, %dma_wait3A_108] : memref<10240x128xf32, #tpu.memory_space<hbm>> -> memref<10240x128xf32, #tpu.memory_space<hbm>>
      tpu.wait_indirect_dma semaphore(%arg10 : memref<!tpu.dma_semaphore, #tpu.memory_space<semaphore_mem>>) src(%dma_wait3A_109 : memref<10240x128xf32, #tpu.memory_space<hbm>>) dst(%arg7 : memref<128x128xf32, #tpu.memory_space<vmem>>)
      %run_scoped3A = arith.constant 1 : i32
      "tpu.region"() ({
        %run_scoped3A_111 = tpu.sem_alloc : memref<!tpu.dma_semaphore, #tpu.memory_space<semaphore_mem>>
        %dma_start3A_112 = arith.constant 0 : i32
        %dma_start3A_113 = tpu.memref_slice %arg6[%run_scoped3A, %dma_start3A_112] : memref<2x128xi32, #tpu.memory_space<vmem>> -> memref<1x128xi32, #tpu.memory_space<vmem>>
        %dma_start3A_114 = tpu.memref_squeeze %dma_start3A_113 : memref<1x128xi32, #tpu.memory_space<vmem>> -> memref<128xi32, #tpu.memory_space<vmem>>
        %dma_start3A_115 = arith.constant 0 : i32
        %dma_start3A_116 = arith.constant 0 : i32
        %dma_start3A_117 = tpu.memref_slice %arg9[%dma_start3A_115, %dma_start3A_116] : memref<10240x128xf32, #tpu.memory_space<vmem_shared>> -> memref<10240x128xf32, #tpu.memory_space<vmem_shared>>
        tpu.enqueue_indirect_dma source(%arg7 : memref<128x128xf32, #tpu.memory_space<vmem>>) target(%dma_start3A_117 : memref<10240x128xf32, #tpu.memory_space<vmem_shared>>) offsets(%dma_start3A_114 : memref<128xi32, #tpu.memory_space<vmem>>) semaphore(%run_scoped3A_111 : memref<!tpu.dma_semaphore, #tpu.memory_space<semaphore_mem>>) {add = true}
        %dma_wait3A_118 = arith.constant 0 : i32
        %dma_wait3A_119 = tpu.memref_slice %arg6[%run_scoped3A, %dma_wait3A_118] : memref<2x128xi32, #tpu.memory_space<vmem>> -> memref<1x128xi32, #tpu.memory_space<vmem>>
        %dma_wait3A_120 = tpu.memref_squeeze %dma_wait3A_119 : memref<1x128xi32, #tpu.memory_space<vmem>> -> memref<128xi32, #tpu.memory_space<vmem>>
        %dma_wait3A_121 = arith.constant 0 : i32
        %dma_wait3A_122 = arith.constant 0 : i32
        %dma_wait3A_123 = tpu.memref_slice %arg9[%dma_wait3A_121, %dma_wait3A_122] : memref<10240x128xf32, #tpu.memory_space<vmem_shared>> -> memref<10240x128xf32, #tpu.memory_space<vmem_shared>>
        tpu.wait_indirect_dma semaphore(%run_scoped3A_111 : memref<!tpu.dma_semaphore, #tpu.memory_space<semaphore_mem>>) src(%arg7 : memref<128x128xf32, #tpu.memory_space<vmem>>) dst(%dma_wait3A_123 : memref<10240x128xf32, #tpu.memory_space<vmem_shared>>)
        tpu.yield
      }) : () -> ()
      %while3A_110 = arith.constant 0 : i32
      scf.yield %while3A_110 : i32
    }
    %barrier3A_35 = arith.constant 0 : index
    tpu.barrier barrier_id(%barrier3A_35)
    %mul3A_36 = arith.constant 640 : i32
    %mul3A_37 = arith.muli %arg1, %mul3A_36 : i32
    %add3A_38 = arith.constant 0 : i32
    %add3A_39 = arith.addi %mul3A_37, %add3A_38 : i32
    "tpu.region"() ({
      %run_scoped3A = tpu.sem_alloc : memref<!tpu.dma_semaphore, #tpu.memory_space<semaphore_mem>>
      %dma_start3A = arith.constant 0 : i32
      %dma_start3A_91 = tpu.memref_slice %arg9[%add3A_39, %dma_start3A] : memref<10240x128xf32, #tpu.memory_space<vmem_shared>> -> memref<128x128xf32, #tpu.memory_space<vmem_shared>>
      %dma_start3A_92 = arith.constant 0 : i32
      %dma_start3A_93 = tpu.memref_slice %arg9[%add3A_39, %dma_start3A_92] : memref<10240x128xf32, #tpu.memory_space<vmem_shared>> -> memref<128x128xf32, #tpu.memory_space<vmem_shared>>
      tpu.enqueue_dma source(%dma_start3A_93 : memref<128x128xf32, #tpu.memory_space<vmem_shared>>) target(%arg8 : memref<128x128xf32, #tpu.memory_space<vmem>>) target_semaphore(%run_scoped3A : memref<!tpu.dma_semaphore, #tpu.memory_space<semaphore_mem>>)
      %dma_wait3A = arith.constant 0 : i32
      %dma_wait3A_94 = tpu.memref_slice %arg9[%add3A_39, %dma_wait3A] : memref<10240x128xf32, #tpu.memory_space<vmem_shared>> -> memref<128x128xf32, #tpu.memory_space<vmem_shared>>
      %dma_wait3A_95 = arith.constant 0 : i32
      %dma_wait3A_96 = tpu.memref_slice %arg9[%add3A_39, %dma_wait3A_95] : memref<10240x128xf32, #tpu.memory_space<vmem_shared>> -> memref<128x128xf32, #tpu.memory_space<vmem_shared>>
      tpu.wait_dma2 semaphore(%run_scoped3A : memref<!tpu.dma_semaphore, #tpu.memory_space<semaphore_mem>>) src(%dma_wait3A_96 : memref<128x128xf32, #tpu.memory_space<vmem_shared>>) dst(%arg8 : memref<128x128xf32, #tpu.memory_space<vmem>>)
      tpu.yield
    }) : () -> ()
    %mul3A_40 = arith.constant 10240 : i32
    %mul3A_41 = arith.muli %arg0, %mul3A_40 : i32
    %mul3A_42 = arith.constant 640 : i32
    %mul3A_43 = arith.muli %arg1, %mul3A_42 : i32
    %add3A_44 = arith.addi %mul3A_41, %mul3A_43 : i32
    %add3A_45 = arith.constant 0 : i32
    %add3A_46 = arith.addi %add3A_44, %add3A_45 : i32
    "tpu.region"() ({
      %run_scoped3A = tpu.sem_alloc : memref<!tpu.dma_semaphore, #tpu.memory_space<semaphore_mem>>
      %dma_start3A = arith.constant 0 : i32
      %dma_start3A_91 = tpu.memref_slice %arg5[%add3A_46, %dma_start3A] : memref<20480x128xf32, #tpu.memory_space<hbm>> -> memref<128x128xf32, #tpu.memory_space<hbm>>
      %dma_start3A_92 = arith.constant 0 : i32
      %dma_start3A_93 = tpu.memref_slice %arg5[%add3A_46, %dma_start3A_92] : memref<20480x128xf32, #tpu.memory_space<hbm>> -> memref<128x128xf32, #tpu.memory_space<hbm>>
      tpu.enqueue_dma source(%arg8 : memref<128x128xf32, #tpu.memory_space<vmem>>) target(%dma_start3A_93 : memref<128x128xf32, #tpu.memory_space<hbm>>) target_semaphore(%run_scoped3A : memref<!tpu.dma_semaphore, #tpu.memory_space<semaphore_mem>>)
      %dma_wait3A = arith.constant 0 : i32
      %dma_wait3A_94 = tpu.memref_slice %arg5[%add3A_46, %dma_wait3A] : memref<20480x128xf32, #tpu.memory_space<hbm>> -> memref<128x128xf32, #tpu.memory_space<hbm>>
      %dma_wait3A_95 = arith.constant 0 : i32
      %dma_wait3A_96 = tpu.memref_slice %arg5[%add3A_46, %dma_wait3A_95] : memref<20480x128xf32, #tpu.memory_space<hbm>> -> memref<128x128xf32, #tpu.memory_space<hbm>>
      tpu.wait_dma2 semaphore(%run_scoped3A : memref<!tpu.dma_semaphore, #tpu.memory_space<semaphore_mem>>) src(%arg8 : memref<128x128xf32, #tpu.memory_space<vmem>>) dst(%dma_wait3A_96 : memref<128x128xf32, #tpu.memory_space<hbm>>)
      tpu.yield
    }) : () -> ()
    %mul3A_47 = arith.constant 640 : i32
    %mul3A_48 = arith.muli %arg1, %mul3A_47 : i32
    %add3A_49 = arith.constant 128 : i32
    %add3A_50 = arith.addi %mul3A_48, %add3A_49 : i32
    "tpu.region"() ({
      %run_scoped3A = tpu.sem_alloc : memref<!tpu.dma_semaphore, #tpu.memory_space<semaphore_mem>>
      %dma_start3A = arith.constant 0 : i32
      %dma_start3A_91 = tpu.memref_slice %arg9[%add3A_50, %dma_start3A] : memref<10240x128xf32, #tpu.memory_space<vmem_shared>> -> memref<128x128xf32, #tpu.memory_space<vmem_shared>>
      %dma_start3A_92 = arith.constant 0 : i32
      %dma_start3A_93 = tpu.memref_slice %arg9[%add3A_50, %dma_start3A_92] : memref<10240x128xf32, #tpu.memory_space<vmem_shared>> -> memref<128x128xf32, #tpu.memory_space<vmem_shared>>
      tpu.enqueue_dma source(%dma_start3A_93 : memref<128x128xf32, #tpu.memory_space<vmem_shared>>) target(%arg8 : memref<128x128xf32, #tpu.memory_space<vmem>>) target_semaphore(%run_scoped3A : memref<!tpu.dma_semaphore, #tpu.memory_space<semaphore_mem>>)
      %dma_wait3A = arith.constant 0 : i32
      %dma_wait3A_94 = tpu.memref_slice %arg9[%add3A_50, %dma_wait3A] : memref<10240x128xf32, #tpu.memory_space<vmem_shared>> -> memref<128x128xf32, #tpu.memory_space<vmem_shared>>
      %dma_wait3A_95 = arith.constant 0 : i32
      %dma_wait3A_96 = tpu.memref_slice %arg9[%add3A_50, %dma_wait3A_95] : memref<10240x128xf32, #tpu.memory_space<vmem_shared>> -> memref<128x128xf32, #tpu.memory_space<vmem_shared>>
      tpu.wait_dma2 semaphore(%run_scoped3A : memref<!tpu.dma_semaphore, #tpu.memory_space<semaphore_mem>>) src(%dma_wait3A_96 : memref<128x128xf32, #tpu.memory_space<vmem_shared>>) dst(%arg8 : memref<128x128xf32, #tpu.memory_space<vmem>>)
      tpu.yield
    }) : () -> ()
    %mul3A_51 = arith.constant 10240 : i32
    %mul3A_52 = arith.muli %arg0, %mul3A_51 : i32
    %mul3A_53 = arith.constant 640 : i32
    %mul3A_54 = arith.muli %arg1, %mul3A_53 : i32
    %add3A_55 = arith.addi %mul3A_52, %mul3A_54 : i32
    %add3A_56 = arith.constant 128 : i32
    %add3A_57 = arith.addi %add3A_55, %add3A_56 : i32
    "tpu.region"() ({
      %run_scoped3A = tpu.sem_alloc : memref<!tpu.dma_semaphore, #tpu.memory_space<semaphore_mem>>
      %dma_start3A = arith.constant 0 : i32
      %dma_start3A_91 = tpu.memref_slice %arg5[%add3A_57, %dma_start3A] : memref<20480x128xf32, #tpu.memory_space<hbm>> -> memref<128x128xf32, #tpu.memory_space<hbm>>
      %dma_start3A_92 = arith.constant 0 : i32
      %dma_start3A_93 = tpu.memref_slice %arg5[%add3A_57, %dma_start3A_92] : memref<20480x128xf32, #tpu.memory_space<hbm>> -> memref<128x128xf32, #tpu.memory_space<hbm>>
      tpu.enqueue_dma source(%arg8 : memref<128x128xf32, #tpu.memory_space<vmem>>) target(%dma_start3A_93 : memref<128x128xf32, #tpu.memory_space<hbm>>) target_semaphore(%run_scoped3A : memref<!tpu.dma_semaphore, #tpu.memory_space<semaphore_mem>>)
      %dma_wait3A = arith.constant 0 : i32
      %dma_wait3A_94 = tpu.memref_slice %arg5[%add3A_57, %dma_wait3A] : memref<20480x128xf32, #tpu.memory_space<hbm>> -> memref<128x128xf32, #tpu.memory_space<hbm>>
      %dma_wait3A_95 = arith.constant 0 : i32
      %dma_wait3A_96 = tpu.memref_slice %arg5[%add3A_57, %dma_wait3A_95] : memref<20480x128xf32, #tpu.memory_space<hbm>> -> memref<128x128xf32, #tpu.memory_space<hbm>>
      tpu.wait_dma2 semaphore(%run_scoped3A : memref<!tpu.dma_semaphore, #tpu.memory_space<semaphore_mem>>) src(%arg8 : memref<128x128xf32, #tpu.memory_space<vmem>>) dst(%dma_wait3A_96 : memref<128x128xf32, #tpu.memory_space<hbm>>)
      tpu.yield
    }) : () -> ()
    %mul3A_58 = arith.constant 640 : i32
    %mul3A_59 = arith.muli %arg1, %mul3A_58 : i32
    %add3A_60 = arith.constant 256 : i32
    %add3A_61 = arith.addi %mul3A_59, %add3A_60 : i32
    "tpu.region"() ({
      %run_scoped3A = tpu.sem_alloc : memref<!tpu.dma_semaphore, #tpu.memory_space<semaphore_mem>>
      %dma_start3A = arith.constant 0 : i32
      %dma_start3A_91 = tpu.memref_slice %arg9[%add3A_61, %dma_start3A] : memref<10240x128xf32, #tpu.memory_space<vmem_shared>> -> memref<128x128xf32, #tpu.memory_space<vmem_shared>>
      %dma_start3A_92 = arith.constant 0 : i32
      %dma_start3A_93 = tpu.memref_slice %arg9[%add3A_61, %dma_start3A_92] : memref<10240x128xf32, #tpu.memory_space<vmem_shared>> -> memref<128x128xf32, #tpu.memory_space<vmem_shared>>
      tpu.enqueue_dma source(%dma_start3A_93 : memref<128x128xf32, #tpu.memory_space<vmem_shared>>) target(%arg8 : memref<128x128xf32, #tpu.memory_space<vmem>>) target_semaphore(%run_scoped3A : memref<!tpu.dma_semaphore, #tpu.memory_space<semaphore_mem>>)
      %dma_wait3A = arith.constant 0 : i32
      %dma_wait3A_94 = tpu.memref_slice %arg9[%add3A_61, %dma_wait3A] : memref<10240x128xf32, #tpu.memory_space<vmem_shared>> -> memref<128x128xf32, #tpu.memory_space<vmem_shared>>
      %dma_wait3A_95 = arith.constant 0 : i32
      %dma_wait3A_96 = tpu.memref_slice %arg9[%add3A_61, %dma_wait3A_95] : memref<10240x128xf32, #tpu.memory_space<vmem_shared>> -> memref<128x128xf32, #tpu.memory_space<vmem_shared>>
      tpu.wait_dma2 semaphore(%run_scoped3A : memref<!tpu.dma_semaphore, #tpu.memory_space<semaphore_mem>>) src(%dma_wait3A_96 : memref<128x128xf32, #tpu.memory_space<vmem_shared>>) dst(%arg8 : memref<128x128xf32, #tpu.memory_space<vmem>>)
      tpu.yield
    }) : () -> ()
    %mul3A_62 = arith.constant 10240 : i32
    %mul3A_63 = arith.muli %arg0, %mul3A_62 : i32
    %mul3A_64 = arith.constant 640 : i32
    %mul3A_65 = arith.muli %arg1, %mul3A_64 : i32
    %add3A_66 = arith.addi %mul3A_63, %mul3A_65 : i32
    %add3A_67 = arith.constant 256 : i32
    %add3A_68 = arith.addi %add3A_66, %add3A_67 : i32
    "tpu.region"() ({
      %run_scoped3A = tpu.sem_alloc : memref<!tpu.dma_semaphore, #tpu.memory_space<semaphore_mem>>
      %dma_start3A = arith.constant 0 : i32
      %dma_start3A_91 = tpu.memref_slice %arg5[%add3A_68, %dma_start3A] : memref<20480x128xf32, #tpu.memory_space<hbm>> -> memref<128x128xf32, #tpu.memory_space<hbm>>
      %dma_start3A_92 = arith.constant 0 : i32
      %dma_start3A_93 = tpu.memref_slice %arg5[%add3A_68, %dma_start3A_92] : memref<20480x128xf32, #tpu.memory_space<hbm>> -> memref<128x128xf32, #tpu.memory_space<hbm>>
      tpu.enqueue_dma source(%arg8 : memref<128x128xf32, #tpu.memory_space<vmem>>) target(%dma_start3A_93 : memref<128x128xf32, #tpu.memory_space<hbm>>) target_semaphore(%run_scoped3A : memref<!tpu.dma_semaphore, #tpu.memory_space<semaphore_mem>>)
      %dma_wait3A = arith.constant 0 : i32
      %dma_wait3A_94 = tpu.memref_slice %arg5[%add3A_68, %dma_wait3A] : memref<20480x128xf32, #tpu.memory_space<hbm>> -> memref<128x128xf32, #tpu.memory_space<hbm>>
      %dma_wait3A_95 = arith.constant 0 : i32
      %dma_wait3A_96 = tpu.memref_slice %arg5[%add3A_68, %dma_wait3A_95] : memref<20480x128xf32, #tpu.memory_space<hbm>> -> memref<128x128xf32, #tpu.memory_space<hbm>>
      tpu.wait_dma2 semaphore(%run_scoped3A : memref<!tpu.dma_semaphore, #tpu.memory_space<semaphore_mem>>) src(%arg8 : memref<128x128xf32, #tpu.memory_space<vmem>>) dst(%dma_wait3A_96 : memref<128x128xf32, #tpu.memory_space<hbm>>)
      tpu.yield
    }) : () -> ()
    %mul3A_69 = arith.constant 640 : i32
    %mul3A_70 = arith.muli %arg1, %mul3A_69 : i32
    %add3A_71 = arith.constant 384 : i32
    %add3A_72 = arith.addi %mul3A_70, %add3A_71 : i32
    "tpu.region"() ({
      %run_scoped3A = tpu.sem_alloc : memref<!tpu.dma_semaphore, #tpu.memory_space<semaphore_mem>>
      %dma_start3A = arith.constant 0 : i32
      %dma_start3A_91 = tpu.memref_slice %arg9[%add3A_72, %dma_start3A] : memref<10240x128xf32, #tpu.memory_space<vmem_shared>> -> memref<128x128xf32, #tpu.memory_space<vmem_shared>>
      %dma_start3A_92 = arith.constant 0 : i32
      %dma_start3A_93 = tpu.memref_slice %arg9[%add3A_72, %dma_start3A_92] : memref<10240x128xf32, #tpu.memory_space<vmem_shared>> -> memref<128x128xf32, #tpu.memory_space<vmem_shared>>
      tpu.enqueue_dma source(%dma_start3A_93 : memref<128x128xf32, #tpu.memory_space<vmem_shared>>) target(%arg8 : memref<128x128xf32, #tpu.memory_space<vmem>>) target_semaphore(%run_scoped3A : memref<!tpu.dma_semaphore, #tpu.memory_space<semaphore_mem>>)
      %dma_wait3A = arith.constant 0 : i32
      %dma_wait3A_94 = tpu.memref_slice %arg9[%add3A_72, %dma_wait3A] : memref<10240x128xf32, #tpu.memory_space<vmem_shared>> -> memref<128x128xf32, #tpu.memory_space<vmem_shared>>
      %dma_wait3A_95 = arith.constant 0 : i32
      %dma_wait3A_96 = tpu.memref_slice %arg9[%add3A_72, %dma_wait3A_95] : memref<10240x128xf32, #tpu.memory_space<vmem_shared>> -> memref<128x128xf32, #tpu.memory_space<vmem_shared>>
      tpu.wait_dma2 semaphore(%run_scoped3A : memref<!tpu.dma_semaphore, #tpu.memory_space<semaphore_mem>>) src(%dma_wait3A_96 : memref<128x128xf32, #tpu.memory_space<vmem_shared>>) dst(%arg8 : memref<128x128xf32, #tpu.memory_space<vmem>>)
      tpu.yield
    }) : () -> ()
    %mul3A_73 = arith.constant 10240 : i32
    %mul3A_74 = arith.muli %arg0, %mul3A_73 : i32
    %mul3A_75 = arith.constant 640 : i32
    %mul3A_76 = arith.muli %arg1, %mul3A_75 : i32
    %add3A_77 = arith.addi %mul3A_74, %mul3A_76 : i32
    %add3A_78 = arith.constant 384 : i32
    %add3A_79 = arith.addi %add3A_77, %add3A_78 : i32
    "tpu.region"() ({
      %run_scoped3A = tpu.sem_alloc : memref<!tpu.dma_semaphore, #tpu.memory_space<semaphore_mem>>
      %dma_start3A = arith.constant 0 : i32
      %dma_start3A_91 = tpu.memref_slice %arg5[%add3A_79, %dma_start3A] : memref<20480x128xf32, #tpu.memory_space<hbm>> -> memref<128x128xf32, #tpu.memory_space<hbm>>
      %dma_start3A_92 = arith.constant 0 : i32
      %dma_start3A_93 = tpu.memref_slice %arg5[%add3A_79, %dma_start3A_92] : memref<20480x128xf32, #tpu.memory_space<hbm>> -> memref<128x128xf32, #tpu.memory_space<hbm>>
      tpu.enqueue_dma source(%arg8 : memref<128x128xf32, #tpu.memory_space<vmem>>) target(%dma_start3A_93 : memref<128x128xf32, #tpu.memory_space<hbm>>) target_semaphore(%run_scoped3A : memref<!tpu.dma_semaphore, #tpu.memory_space<semaphore_mem>>)
      %dma_wait3A = arith.constant 0 : i32
      %dma_wait3A_94 = tpu.memref_slice %arg5[%add3A_79, %dma_wait3A] : memref<20480x128xf32, #tpu.memory_space<hbm>> -> memref<128x128xf32, #tpu.memory_space<hbm>>
      %dma_wait3A_95 = arith.constant 0 : i32
      %dma_wait3A_96 = tpu.memref_slice %arg5[%add3A_79, %dma_wait3A_95] : memref<20480x128xf32, #tpu.memory_space<hbm>> -> memref<128x128xf32, #tpu.memory_space<hbm>>
      tpu.wait_dma2 semaphore(%run_scoped3A : memref<!tpu.dma_semaphore, #tpu.memory_space<semaphore_mem>>) src(%arg8 : memref<128x128xf32, #tpu.memory_space<vmem>>) dst(%dma_wait3A_96 : memref<128x128xf32, #tpu.memory_space<hbm>>)
      tpu.yield
    }) : () -> ()
    %mul3A_80 = arith.constant 640 : i32
    %mul3A_81 = arith.muli %arg1, %mul3A_80 : i32
    %add3A_82 = arith.constant 512 : i32
    %add3A_83 = arith.addi %mul3A_81, %add3A_82 : i32
    "tpu.region"() ({
      %run_scoped3A = tpu.sem_alloc : memref<!tpu.dma_semaphore, #tpu.memory_space<semaphore_mem>>
      %dma_start3A = arith.constant 0 : i32
      %dma_start3A_91 = tpu.memref_slice %arg9[%add3A_83, %dma_start3A] : memref<10240x128xf32, #tpu.memory_space<vmem_shared>> -> memref<128x128xf32, #tpu.memory_space<vmem_shared>>
      %dma_start3A_92 = arith.constant 0 : i32
      %dma_start3A_93 = tpu.memref_slice %arg9[%add3A_83, %dma_start3A_92] : memref<10240x128xf32, #tpu.memory_space<vmem_shared>> -> memref<128x128xf32, #tpu.memory_space<vmem_shared>>
      tpu.enqueue_dma source(%dma_start3A_93 : memref<128x128xf32, #tpu.memory_space<vmem_shared>>) target(%arg8 : memref<128x128xf32, #tpu.memory_space<vmem>>) target_semaphore(%run_scoped3A : memref<!tpu.dma_semaphore, #tpu.memory_space<semaphore_mem>>)
      %dma_wait3A = arith.constant 0 : i32
      %dma_wait3A_94 = tpu.memref_slice %arg9[%add3A_83, %dma_wait3A] : memref<10240x128xf32, #tpu.memory_space<vmem_shared>> -> memref<128x128xf32, #tpu.memory_space<vmem_shared>>
      %dma_wait3A_95 = arith.constant 0 : i32
      %dma_wait3A_96 = tpu.memref_slice %arg9[%add3A_83, %dma_wait3A_95] : memref<10240x128xf32, #tpu.memory_space<vmem_shared>> -> memref<128x128xf32, #tpu.memory_space<vmem_shared>>
      tpu.wait_dma2 semaphore(%run_scoped3A : memref<!tpu.dma_semaphore, #tpu.memory_space<semaphore_mem>>) src(%dma_wait3A_96 : memref<128x128xf32, #tpu.memory_space<vmem_shared>>) dst(%arg8 : memref<128x128xf32, #tpu.memory_space<vmem>>)
      tpu.yield
    }) : () -> ()
    %mul3A_84 = arith.constant 10240 : i32
    %mul3A_85 = arith.muli %arg0, %mul3A_84 : i32
    %mul3A_86 = arith.constant 640 : i32
    %mul3A_87 = arith.muli %arg1, %mul3A_86 : i32
    %add3A_88 = arith.addi %mul3A_85, %mul3A_87 : i32
    %add3A_89 = arith.constant 512 : i32
    %add3A_90 = arith.addi %add3A_88, %add3A_89 : i32
    "tpu.region"() ({
      %run_scoped3A = tpu.sem_alloc : memref<!tpu.dma_semaphore, #tpu.memory_space<semaphore_mem>>
      %dma_start3A = arith.constant 0 : i32
      %dma_start3A_91 = tpu.memref_slice %arg5[%add3A_90, %dma_start3A] : memref<20480x128xf32, #tpu.memory_space<hbm>> -> memref<128x128xf32, #tpu.memory_space<hbm>>
      %dma_start3A_92 = arith.constant 0 : i32
      %dma_start3A_93 = tpu.memref_slice %arg5[%add3A_90, %dma_start3A_92] : memref<20480x128xf32, #tpu.memory_space<hbm>> -> memref<128x128xf32, #tpu.memory_space<hbm>>
      tpu.enqueue_dma source(%arg8 : memref<128x128xf32, #tpu.memory_space<vmem>>) target(%dma_start3A_93 : memref<128x128xf32, #tpu.memory_space<hbm>>) target_semaphore(%run_scoped3A : memref<!tpu.dma_semaphore, #tpu.memory_space<semaphore_mem>>)
      %dma_wait3A = arith.constant 0 : i32
      %dma_wait3A_94 = tpu.memref_slice %arg5[%add3A_90, %dma_wait3A] : memref<20480x128xf32, #tpu.memory_space<hbm>> -> memref<128x128xf32, #tpu.memory_space<hbm>>
      %dma_wait3A_95 = arith.constant 0 : i32
      %dma_wait3A_96 = tpu.memref_slice %arg5[%add3A_90, %dma_wait3A_95] : memref<20480x128xf32, #tpu.memory_space<hbm>> -> memref<128x128xf32, #tpu.memory_space<hbm>>
      tpu.wait_dma2 semaphore(%run_scoped3A : memref<!tpu.dma_semaphore, #tpu.memory_space<semaphore_mem>>) src(%arg8 : memref<128x128xf32, #tpu.memory_space<vmem>>) dst(%dma_wait3A_96 : memref<128x128xf32, #tpu.memory_space<hbm>>)
      tpu.yield
    }) : () -> ()
    return
  }
}

module attributes {stable_mosaic.version = 14 : i64} {
  func.func @_tc1_body(%arg0: i32, %arg1: memref<1024x128xf32, #tpu.memory_space<vmem>>, %arg2: memref<128x128xf32, #tpu.memory_space<vmem>>, %arg3: memref<2x1024x128xf32, #tpu.memory_space<vmem>>, %arg4: memref<1024x128xf32, #tpu.memory_space<vmem>>, %arg5: memref<1024x128xf32, #tpu.memory_space<vmem>>) attributes {dimension_semantics = [#tpu.dimension_semantics<arbitrary>], iteration_bounds = array<i64: 10>, scalar_prefetch = 0 : i64, scratch_operands = 0 : i64, tpu.core_type = #tpu.core_type<tc>, window_params = [{transform_indices = @transform_0, window_bounds = array<i64: 1024, 128>}, {pipeline_mode = #tpu.pipeline_mode<synchronous>, transform_indices = @transform_1, window_bounds = array<i64: 128, 128>}, {transform_indices = @transform_2, window_bounds = array<i64: 2, 1024, 128>}, {transform_indices = @transform_3, window_bounds = array<i64: 1024, 128>}, {transform_indices = @transform_4, window_bounds = array<i64: 1024, 128>}]} {
    %get3A = arith.constant 0 : index
    %get3A_0 = arith.constant 0 : index
    %get3A_1 = arith.constant 0 : index
    %get3A_2 = vector.load %arg3[%get3A, %get3A_0, %get3A_1] : memref<2x1024x128xf32, #tpu.memory_space<vmem>>, vector<1x1024x1xf32>
    %get3A_3 = vector.shape_cast %get3A_2 : vector<1x1024x1xf32> to vector<1024x1xf32>
    %get3A_4 = arith.constant 1 : index
    %get3A_5 = arith.constant 0 : index
    %get3A_6 = arith.constant 0 : index
    %get3A_7 = vector.load %arg3[%get3A_4, %get3A_5, %get3A_6] : memref<2x1024x128xf32, #tpu.memory_space<vmem>>, vector<1x1024x1xf32>
    %get3A_8 = vector.shape_cast %get3A_7 : vector<1x1024x1xf32> to vector<1024x1xf32>
    %add3A = arith.addf %get3A_3, %get3A_8 : vector<1024x1xf32>
    %add3A_9 = arith.constant 1.000000e+00 : f32
    %add3A_10 = vector.broadcast %add3A_9 : f32 to vector<1024x1xf32>
    %add3A_11 = arith.addf %add3A, %add3A_10 : vector<1024x1xf32>
    %rsqrt3A = math.rsqrt %add3A_11 : vector<1024x1xf32>
    %get3A_12 = arith.constant 0 : index
    %get3A_13 = arith.constant 0 : index
    %get3A_14 = vector.load %arg1[%get3A_12, %get3A_13] : memref<1024x128xf32, #tpu.memory_space<vmem>>, vector<1024x128xf32>
    %get3A_15 = arith.constant 0 : index
    %get3A_16 = arith.constant 0 : index
    %get3A_17 = vector.load %arg2[%get3A_15, %get3A_16] : memref<128x128xf32, #tpu.memory_space<vmem>>, vector<128x128xf32>
    %dot_general3A = arith.constant dense<0.000000e+00> : vector<1024x128xf32>
    %dot_general3A_18 = tpu.matmul %get3A_14, %get3A_17, %dot_general3A {dimension_numbers = #tpu.dot_dimension_numbers<[1], [0], [0], [1], [0, 0, 1, 1], [], []>, transpose_lhs_hint = false} : vector<1024x128xf32>, vector<128x128xf32>, vector<1024x128xf32> -> vector<1024x128xf32>
    %mul3A = vector.broadcast %rsqrt3A : vector<1024x1xf32> to vector<1024x128xf32>
    %mul3A_19 = arith.mulf %dot_general3A_18, %mul3A : vector<1024x128xf32>
    %swap3A = arith.constant 0 : index
    %swap3A_20 = arith.constant 0 : index
    %swap3A_21 = vector.load %arg4[%swap3A, %swap3A_20] : memref<1024x128xf32, #tpu.memory_space<vmem>>, vector<1024x128xf32>
    tpu.vector_store %arg4[%swap3A, %swap3A_20], %mul3A_19 {strides = array<i32>} : memref<1024x128xf32, #tpu.memory_space<vmem>>, vector<1024x128xf32>,
    %broadcast_in_dim3A = vector.shape_cast %rsqrt3A : vector<1024x1xf32> to vector<1024x1xf32>
    %broadcast_in_dim3A_22 = vector.broadcast %broadcast_in_dim3A : vector<1024x1xf32> to vector<1024x128xf32>
    %swap3A_23 = arith.constant 0 : index
    %swap3A_24 = arith.constant 0 : index
    %swap3A_25 = vector.load %arg5[%swap3A_23, %swap3A_24] : memref<1024x128xf32, #tpu.memory_space<vmem>>, vector<1024x128xf32>
    tpu.vector_store %arg5[%swap3A_23, %swap3A_24], %broadcast_in_dim3A_22 {strides = array<i32>} : memref<1024x128xf32, #tpu.memory_space<vmem>>, vector<1024x128xf32>,
    return
  }
  func.func @transform_0(%arg0: i32) -> (i32, i32) {
    %c0_i32 = arith.constant 0 : i32
    %c0_i32_0 = arith.constant 0 : i32
    return %arg0, %c0_i32 : i32, i32
  }
  func.func @transform_1(%arg0: i32) -> (i32, i32) {
    %c0_i32 = arith.constant 0 : i32
    %c0_i32_0 = arith.constant 0 : i32
    %c0_i32_1 = arith.constant 0 : i32
    return %c0_i32, %c0_i32_0 : i32, i32
  }
  func.func @transform_2(%arg0: i32) -> (i32, i32, i32) {
    %c0_i32 = arith.constant 0 : i32
    %c0_i32_0 = arith.constant 0 : i32
    %c0_i32_1 = arith.constant 0 : i32
    return %c0_i32, %arg0, %c0_i32_0 : i32, i32, i32
  }
  func.func @transform_3(%arg0: i32) -> (i32, i32) {
    %c0_i32 = arith.constant 0 : i32
    %c0_i32_0 = arith.constant 0 : i32
    return %arg0, %c0_i32 : i32, i32
  }
  func.func @transform_4(%arg0: i32) -> (i32, i32) {
    %c0_i32 = arith.constant 0 : i32
    %c0_i32_0 = arith.constant 0 : i32
    return %arg0, %c0_i32 : i32, i32
  }
}

module attributes {stable_mosaic.version = 14 : i64} {
  func.func @_tc2_body(%arg0: i32, %arg1: memref<2x1024x128xf32, #tpu.memory_space<vmem>>, %arg2: memref<1024x128xf32, #tpu.memory_space<vmem>>, %arg3: memref<1024x128xf32, #tpu.memory_space<vmem>>, %arg4: memref<1x128xf32, #tpu.memory_space<vmem>>, %arg5: memref<128x128xf32, #tpu.memory_space<vmem>>, %arg6: memref<1024x128xf32, #tpu.memory_space<vmem>>) attributes {dimension_semantics = [#tpu.dimension_semantics<arbitrary>], iteration_bounds = array<i64: 10>, scalar_prefetch = 0 : i64, scratch_operands = 0 : i64, tpu.core_type = #tpu.core_type<tc>, window_params = [{transform_indices = @transform_0, window_bounds = array<i64: 2, 1024, 128>}, {transform_indices = @transform_1, window_bounds = array<i64: 1024, 128>}, {transform_indices = @transform_2, window_bounds = array<i64: 1024, 128>}, {pipeline_mode = #tpu.pipeline_mode<synchronous>, transform_indices = @transform_3, window_bounds = array<i64: 1, 128>}, {pipeline_mode = #tpu.pipeline_mode<synchronous>, transform_indices = @transform_4, window_bounds = array<i64: 128, 128>}, {transform_indices = @transform_5, window_bounds = array<i64: 1024, 128>}]} {
    %get3A = arith.constant 0 : index
    %get3A_0 = arith.constant 0 : index
    %get3A_1 = vector.load %arg3[%get3A, %get3A_0] : memref<1024x128xf32, #tpu.memory_space<vmem>>, vector<1024x1xf32>
    %get3A_2 = arith.constant 0 : index
    %get3A_3 = arith.constant 0 : index
    %get3A_4 = arith.constant 0 : index
    %get3A_5 = vector.load %arg1[%get3A_2, %get3A_3, %get3A_4] : memref<2x1024x128xf32, #tpu.memory_space<vmem>>, vector<1x1024x128xf32>
    %get3A_6 = vector.shape_cast %get3A_5 : vector<1x1024x128xf32> to vector<1024x128xf32>
    %get3A_7 = arith.constant 1 : index
    %get3A_8 = arith.constant 0 : index
    %get3A_9 = arith.constant 0 : index
    %get3A_10 = vector.load %arg1[%get3A_7, %get3A_8, %get3A_9] : memref<2x1024x128xf32, #tpu.memory_space<vmem>>, vector<1x1024x128xf32>
    %get3A_11 = vector.shape_cast %get3A_10 : vector<1x1024x128xf32> to vector<1024x128xf32>
    %add3A = arith.addf %get3A_6, %get3A_11 : vector<1024x128xf32>
    %get3A_12 = arith.constant 0 : index
    %get3A_13 = arith.constant 0 : index
    %get3A_14 = vector.load %arg2[%get3A_12, %get3A_13] : memref<1024x128xf32, #tpu.memory_space<vmem>>, vector<1024x128xf32>
    %add3A_15 = arith.addf %add3A, %get3A_14 : vector<1024x128xf32>
    %mul3A = vector.broadcast %get3A_1 : vector<1024x1xf32> to vector<1024x128xf32>
    %mul3A_16 = arith.mulf %add3A_15, %mul3A : vector<1024x128xf32>
    %get3A_17 = arith.constant 0 : index
    %get3A_18 = arith.constant 0 : index
    %get3A_19 = vector.load %arg4[%get3A_17, %get3A_18] : memref<1x128xf32, #tpu.memory_space<vmem>>, vector<1x128xf32>
    %add3A_20 = vector.broadcast %get3A_19 : vector<1x128xf32> to vector<1024x128xf32>
    %add3A_21 = arith.addf %mul3A_16, %add3A_20 : vector<1024x128xf32>
    %max3A = arith.constant 0.000000e+00 : f32
    %max3A_22 = vector.broadcast %max3A : f32 to vector<1024x128xf32>
    %max3A_23 = arith.maximumf %add3A_21, %max3A_22 : vector<1024x128xf32>
    %get3A_24 = arith.constant 0 : index
    %get3A_25 = arith.constant 0 : index
    %get3A_26 = vector.load %arg5[%get3A_24, %get3A_25] : memref<128x128xf32, #tpu.memory_space<vmem>>, vector<128x128xf32>
    %dot_general3A = arith.constant dense<0.000000e+00> : vector<1024x128xf32>
    %dot_general3A_27 = tpu.matmul %max3A_23, %get3A_26, %dot_general3A {dimension_numbers = #tpu.dot_dimension_numbers<[1], [0], [0], [1], [0, 0, 1, 1], [], []>, transpose_lhs_hint = false} : vector<1024x128xf32>, vector<128x128xf32>, vector<1024x128xf32> -> vector<1024x128xf32>
    %mul3A_28 = vector.broadcast %get3A_1 : vector<1024x1xf32> to vector<1024x128xf32>
    %mul3A_29 = arith.mulf %dot_general3A_27, %mul3A_28 : vector<1024x128xf32>
    %swap3A = arith.constant 0 : index
    %swap3A_30 = arith.constant 0 : index
    %swap3A_31 = vector.load %arg6[%swap3A, %swap3A_30] : memref<1024x128xf32, #tpu.memory_space<vmem>>, vector<1024x128xf32>
    tpu.vector_store %arg6[%swap3A, %swap3A_30], %mul3A_29 {strides = array<i32>} : memref<1024x128xf32, #tpu.memory_space<vmem>>, vector<1024x128xf32>,
    return
  }
  func.func @transform_0(%arg0: i32) -> (i32, i32, i32) {
    %c0_i32 = arith.constant 0 : i32
    %c0_i32_0 = arith.constant 0 : i32
    %c0_i32_1 = arith.constant 0 : i32
    return %c0_i32, %arg0, %c0_i32_0 : i32, i32, i32
  }
  func.func @transform_1(%arg0: i32) -> (i32, i32) {
    %c0_i32 = arith.constant 0 : i32
    %c0_i32_0 = arith.constant 0 : i32
    return %arg0, %c0_i32 : i32, i32
  }
  func.func @transform_2(%arg0: i32) -> (i32, i32) {
    %c0_i32 = arith.constant 0 : i32
    %c0_i32_0 = arith.constant 0 : i32
    return %arg0, %c0_i32 : i32, i32
  }
  func.func @transform_3(%arg0: i32) -> (i32, i32) {
    %c0_i32 = arith.constant 0 : i32
    %c0_i32_0 = arith.constant 0 : i32
    %c0_i32_1 = arith.constant 0 : i32
    return %c0_i32, %c0_i32_0 : i32, i32
  }
  func.func @transform_4(%arg0: i32) -> (i32, i32) {
    %c0_i32 = arith.constant 0 : i32
    %c0_i32_0 = arith.constant 0 : i32
    %c0_i32_1 = arith.constant 0 : i32
    return %c0_i32, %c0_i32_0 : i32, i32
  }
  func.func @transform_5(%arg0: i32) -> (i32, i32) {
    %c0_i32 = arith.constant 0 : i32
    %c0_i32_0 = arith.constant 0 : i32
    return %arg0, %c0_i32 : i32, i32
  }
}

module attributes {stable_mosaic.version = 14 : i64} {
  func.func @_tc3_body(%arg0: i32, %arg1: memref<2x1024x128xf32, #tpu.memory_space<vmem>>, %arg2: memref<1024x128xf32, #tpu.memory_space<vmem>>, %arg3: memref<1024x128xf32, #tpu.memory_space<vmem>>, %arg4: memref<1x128xf32, #tpu.memory_space<vmem>>, %arg5: memref<1024x128xf32, #tpu.memory_space<vmem>>) attributes {dimension_semantics = [#tpu.dimension_semantics<arbitrary>], iteration_bounds = array<i64: 10>, scalar_prefetch = 0 : i64, scratch_operands = 0 : i64, tpu.core_type = #tpu.core_type<tc>, window_params = [{transform_indices = @transform_0, window_bounds = array<i64: 2, 1024, 128>}, {transform_indices = @transform_1, window_bounds = array<i64: 1024, 128>}, {transform_indices = @transform_2, window_bounds = array<i64: 1024, 128>}, {pipeline_mode = #tpu.pipeline_mode<synchronous>, transform_indices = @transform_3, window_bounds = array<i64: 1, 128>}, {transform_indices = @transform_4, window_bounds = array<i64: 1024, 128>}]} {
    %get3A = arith.constant 0 : index
    %get3A_0 = arith.constant 0 : index
    %get3A_1 = vector.load %arg3[%get3A, %get3A_0] : memref<1024x128xf32, #tpu.memory_space<vmem>>, vector<1024x1xf32>
    %get3A_2 = arith.constant 0 : index
    %get3A_3 = arith.constant 0 : index
    %get3A_4 = arith.constant 0 : index
    %get3A_5 = vector.load %arg1[%get3A_2, %get3A_3, %get3A_4] : memref<2x1024x128xf32, #tpu.memory_space<vmem>>, vector<1x1024x128xf32>
    %get3A_6 = vector.shape_cast %get3A_5 : vector<1x1024x128xf32> to vector<1024x128xf32>
    %get3A_7 = arith.constant 1 : index
    %get3A_8 = arith.constant 0 : index
    %get3A_9 = arith.constant 0 : index
    %get3A_10 = vector.load %arg1[%get3A_7, %get3A_8, %get3A_9] : memref<2x1024x128xf32, #tpu.memory_space<vmem>>, vector<1x1024x128xf32>
    %get3A_11 = vector.shape_cast %get3A_10 : vector<1x1024x128xf32> to vector<1024x128xf32>
    %add3A = arith.addf %get3A_6, %get3A_11 : vector<1024x128xf32>
    %get3A_12 = arith.constant 0 : index
    %get3A_13 = arith.constant 0 : index
    %get3A_14 = vector.load %arg2[%get3A_12, %get3A_13] : memref<1024x128xf32, #tpu.memory_space<vmem>>, vector<1024x128xf32>
    %add3A_15 = arith.addf %add3A, %get3A_14 : vector<1024x128xf32>
    %mul3A = vector.broadcast %get3A_1 : vector<1024x1xf32> to vector<1024x128xf32>
    %mul3A_16 = arith.mulf %add3A_15, %mul3A : vector<1024x128xf32>
    %get3A_17 = arith.constant 0 : index
    %get3A_18 = arith.constant 0 : index
    %get3A_19 = vector.load %arg4[%get3A_17, %get3A_18] : memref<1x128xf32, #tpu.memory_space<vmem>>, vector<1x128xf32>
    %add3A_20 = vector.broadcast %get3A_19 : vector<1x128xf32> to vector<1024x128xf32>
    %add3A_21 = arith.addf %mul3A_16, %add3A_20 : vector<1024x128xf32>
    %swap3A = arith.constant 0 : index
    %swap3A_22 = arith.constant 0 : index
    %swap3A_23 = vector.load %arg5[%swap3A, %swap3A_22] : memref<1024x128xf32, #tpu.memory_space<vmem>>, vector<1024x128xf32>
    tpu.vector_store %arg5[%swap3A, %swap3A_22], %add3A_21 {strides = array<i32>} : memref<1024x128xf32, #tpu.memory_space<vmem>>, vector<1024x128xf32>,
    return
  }
  func.func @transform_0(%arg0: i32) -> (i32, i32, i32) {
    %c0_i32 = arith.constant 0 : i32
    %c0_i32_0 = arith.constant 0 : i32
    %c0_i32_1 = arith.constant 0 : i32
    return %c0_i32, %arg0, %c0_i32_0 : i32, i32, i32
  }
  func.func @transform_1(%arg0: i32) -> (i32, i32) {
    %c0_i32 = arith.constant 0 : i32
    %c0_i32_0 = arith.constant 0 : i32
    return %arg0, %c0_i32 : i32, i32
  }
  func.func @transform_2(%arg0: i32) -> (i32, i32) {
    %c0_i32 = arith.constant 0 : i32
    %c0_i32_0 = arith.constant 0 : i32
    return %arg0, %c0_i32 : i32, i32
  }
  func.func @transform_3(%arg0: i32) -> (i32, i32) {
    %c0_i32 = arith.constant 0 : i32
    %c0_i32_0 = arith.constant 0 : i32
    %c0_i32_1 = arith.constant 0 : i32
    return %c0_i32, %c0_i32_0 : i32, i32
  }
  func.func @transform_4(%arg0: i32) -> (i32, i32) {
    %c0_i32 = arith.constant 0 : i32
    %c0_i32_0 = arith.constant 0 : i32
    return %arg0, %c0_i32 : i32, i32
  }
}

</mosaic_0001>

<sc_bundles>
// kernel: kernel.11.cloned.1.call-start
scs
__scs_entry_jumppad:
0x0: {  	(pc) =	sbr.rel $0x88, $3  }
0x1: {  	(tag) =	ssettag $0x0;
	lr =	simm.s32 $0x1  }
0x2: {  	[smem:$0x3F9B] =	sst lr;
	_ =	strace $0xD0000000  }
0x3: {  	_ = 	snop  }
0x4: {  	_ = 	snop  }
0x5: {  	_ = 	snop  }
0x6: {  	_ = 	snop  }
0x7: {  	_ = 	snop  }
__scs_overlays_trampoline_lowered:
0x8: {  	[smem:$0x3FAA] =	sst s0  }
0x9: {  	[smem:$0x3FAB] =	sst s1  }
0xa: {  	[smem:$0x3FAC] =	sst s2  }
0xb: {  	[smem:$0x3FAD] =	sst s3  }
0xc: {  	[smem:$0x3FAE] =	sst s4  }
0xd: {  	[smem:$0x3FAF] =	sst s5  }
0xe: {  	[smem:$0x3FB0] =	sst s6  }
0xf: {  	[smem:$0x3FB1] =	sst s7  }
0x10: {  	[smem:$0x3FB2] =	sst s8  }
0x11: {  	[smem:$0x3FB3] =	sst s9;
	s0 =	simm.s32 @!p0 $0x0  }
0x12: {  	s1 =	sld [smem:$0x3F99];
	s0 =	simm.s32 @p0 $0x1  }
0x13: {  	[smem:$0x3FB4] =	sst s0;
	s0 =	simm.s32 @!p1 $0x0  }
0x14: {  	s2 =	sld [smem:$0x3F98];
	s0 =	simm.s32 @p1 $0x1  }
0x15: {  	[smem:$0x3FB5] =	sst s0;
	s0 =	simm.s32 @!p2 $0x0  }
0x16: {  	s3 =	sld [smem:$0x3FDB];
	s0 =	simm.s32 @p2 $0x1  }
0x17: {  	s4 =	simm.s32 $0x1BF5;
	[smem:$0x3FB7] =	sst s0  }
0x18: {  	s0 =	sld [smem:$0x3F9A];
	_ =	swait.ge [sflag:s4], $0x0  }
0x19: {  	s7 =	sld [smem:$0x3F9B]  }
0x1a: {  	s8 =	sadd.s32 $0xFFFFE003, lr  }
0x1b: {  	s9 =	sadd.s32 $0xFFFFFEF7, lr;
	s5 =	simm.s32 $0xFFFFFFFF;
	p2 =	slt.u32 s8, $0xFFFFF086  }
0x1c: {  	p1 =	slt.u32 s9, $0xF7A;
	s5 =	simm.s32 @!p2 $0x0  }
0x1d: {  	s5 =	simm.s32 @p1 $0x1;
	p0 =	seq.s32 s7, s2  }
0x1e: {  	s7 =	smul.u32 @!p0 $0xF7A, s2;
	p2 =	seq.s32 @!p0 s5, $0x0  }
0x1f: {  	s9 =	smul.u32 $0xF7A, s1;
	s8 =	simm.s32 @!p0 $0x1BF5;
	p2 =	por !p2, p0  }
0x20: {  	[sflag:s8] =	ssyncset.s32 @!p0 $0xFFFFF086;
	s6 =	sadd.s32 @!p0 s3, s7;
	s7 =	simm.s32 @!p0 $0x108  }
0x21: {  	s3 =	sadd.s32 s3, s9;
	s6 =	sadd.s32 @!p0 $0x88, s6;
	s7 =	simm.s32 @p2 $0x1082  }
0x22: {  	[simem:s7], [sflag:s8] =	dma.local @!p0 [hbm:s6], $0xF7A  }
0x23: {  	s9 =	sor.u32 $0xD0000000, s2;
	s6 =	simm.s32 $0x108;
	_ =	swait.ge @!p0 [sflag:s8], $0x0  }
0x24: {  	s3 =	sadd.s32 $0x88, s3;
	s6 =	simm.s32 @!p1 $0x1082;
	[sflag:s4] =	ssyncset.s32 $0xFFFFF086  }
0x25: {  	[simem:s6], [sflag:s4] =	dma.local [hbm:s3], $0xF7A  }
0x26: {  	[smem:$0x3F9B] =	sst s1;
	(tag) =	ssettag s2;
	_ =	strace s9  }
0x27: {  	s1 =	sld [smem:$0x3FAB]  }
0x28: {  	s2 =	sld [smem:$0x3FAC]  }
0x29: {  	s4 =	sld [smem:$0x3FAE]  }
0x2a: {  	p0 =	seq.s32 s5, $0x0;
	s5 =	sld [smem:$0x3FAF]  }
0x2b: {  	s6 =	sld [smem:$0x3FB0]  }
0x2c: {  	s7 =	sld [smem:$0x3FB1]  }
0x2d: {  	s3 =	simm.s32 $0x108;
	s8 =	sld [smem:$0x3FB2]  }
0x2e: {  	s3 =	simm.s32 @!p0 $0x1082;
	s9 =	sld [smem:$0x3FB3]  }
0x2f: {  	lr =	sadd.s32 s0, s3;
	s0 =	sld [smem:$0x3FAA]  }
0x30: {  	s3 =	sld [smem:$0x3FAD]  }
0x31: {  	[smem:$0x3FB6] =	sst s10  }
0x32: {  	s10 =	sld [smem:$0x3FB4];
	_ =	sdelay $0x3  }
0x33: {  	p0 =	seq.s32 s10, $0x1;
	s10 =	sld [smem:$0x3FB6];
	_ =	sdelay $0x3  }
0x34: {  	[smem:$0x3FB6] =	sst s10  }
0x35: {  	s10 =	sld [smem:$0x3FB5];
	_ =	sdelay $0x3  }
0x36: {  	p1 =	seq.s32 s10, $0x1;
	s10 =	sld [smem:$0x3FB6];
	_ =	sdelay $0x3  }
0x37: {  	[smem:$0x3FB6] =	sst s10  }
0x38: {  	s10 =	sld [smem:$0x3FB7]  }
0x39: {  	_ = 	snop;
	(pc) =	sbr.ind lr, $3  }
0x3a: {  	_ = 	snop  }
0x3b: {  	_ = 	snop  }
0x3c: {  	p2 =	seq.s32 s10, $0x1;
	s10 =	sld [smem:$0x3FB6]  }
0x3d: {  	_ =	shalt  }
0x3e: {  	_ =	shalt  }
0x3f: {  	_ =	shalt  }
0x40: {  	_ =	shalt  }
0x41: {  	_ =	shalt  }
0x42: {  	_ =	shalt  }
0x43: {  	_ =	shalt  }
0x44: {  	_ =	shalt  }
0x45: {  	_ =	shalt  }
0x46: {  	_ =	shalt  }
0x47: {  	_ =	shalt  }
0x48: {  	_ =	shalt  }
0x49: {  	_ =	shalt  }
0x4a: {  	_ =	shalt  }
0x4b: {  	_ =	shalt  }
0x4c: {  	_ =	shalt  }
0x4d: {  	_ =	shalt  }
0x4e: {  	_ =	shalt  }
0x4f: {  	_ =	shalt  }
0x50: {  	_ =	shalt  }
0x51: {  	_ =	shalt  }
0x52: {  	_ =	shalt  }
0x53: {  	_ =	shalt  }
0x54: {  	_ =	shalt  }
0x55: {  	_ =	shalt  }
0x56: {  	_ =	shalt  }
0x57: {  	_ =	shalt  }
0x58: {  	_ =	shalt  }
0x59: {  	_ =	shalt  }
0x5a: {  	_ =	shalt  }
0x5b: {  	_ =	shalt  }
0x5c: {  	_ =	shalt  }
0x5d: {  	_ =	shalt  }
0x5e: {  	_ =	shalt  }
0x5f: {  	_ =	shalt  }
0x60: {  	_ =	shalt  }
0x61: {  	_ =	shalt  }
0x62: {  	_ =	shalt  }
0x63: {  	_ =	shalt  }
0x64: {  	_ =	shalt  }
0x65: {  	_ =	shalt  }
0x66: {  	_ =	shalt  }
0x67: {  	_ =	shalt  }
0x68: {  	_ =	shalt  }
0x69: {  	_ =	shalt  }
0x6a: {  	_ =	shalt  }
0x6b: {  	_ =	shalt  }
0x6c: {  	_ =	shalt  }
0x6d: {  	_ =	shalt  }
0x6e: {  	_ =	shalt  }
0x6f: {  	_ =	shalt  }
0x70: {  	_ =	shalt  }
0x71: {  	_ =	shalt  }
0x72: {  	_ =	shalt  }
0x73: {  	_ =	shalt  }
0x74: {  	_ =	shalt  }
0x75: {  	_ =	shalt  }
0x76: {  	_ =	shalt  }
0x77: {  	_ =	shalt  }
0x78: {  	_ =	shalt  }
0x79: {  	_ =	shalt  }
0x7a: {  	_ =	shalt  }
0x7b: {  	_ =	shalt  }
0x7c: {  	_ =	shalt  }
0x7d: {  	_ =	shalt  }
0x7e: {  	_ =	shalt  }
0x7f: {  	_ =	shalt  }
0x80: {  	_ =	shalt  }
0x81: {  	_ =	shalt  }
0x82: {  	_ =	shalt  }
0x83: {  	_ =	shalt  }
0x84: {  	_ =	shalt  }
0x85: {  	_ =	shalt  }
0x86: {  	_ =	shalt  }
0x87: {  	_ =	shalt  }
.Lfunc_end0:
.L_simem_size_0:
called_computation.1_lowered:
.L_overlay_start_0:
0x88: {  	s2 =	sld [smem:$0x3FD9]  }
0x89: {  	s3 =	sld [smem:$0x3FFE];
	_ =	sdelay $0x1  }
0x8a: {  	s1 =	srdreg.scid  }
0x8b: {  	s0 =	sand.u32 $0x1, s1  }
0x8c: {  	s17 =	sshll.u32 s0, $0xA;
	s2 =	sadd.s32 s3, s2  }
0x8d: {  	s2 =	sadd.s32 s2, s17  }
0x8e: {  	[smem:$0x3FC2] =	sst s2  }
0x8f: {  	_ = 	snop  }
0x90: {  	s2 =	sld [smem:$0x3FD0];
	(tm) =	ssettm $0x1  }
0x91: {  	s18 =	sld [smem:$0x3FFB];
	_ =	sdelay $0x3  }
0x92: {  	_ =	strace s18  }
0x93: {  	s3 =	sld [smem:$0x3FFC];
	_ =	sdelay $0x3  }
0x94: {  	_ =	strace s3  }
0x95: {  	s3 =	sld [smem:$0x3FFD];
	_ =	sdelay $0x3  }
0x96: {  	_ =	strace s3  }
0x97: {  	_ =	strace $0x8FFFFFFF  }
0x98: {  	s19 =	sld [smem:$0x3FDB];
	_ =	sdelay $0x1  }
0x99: {  	s4 =	simm.s32 $_scs_section_size  }
0x9a: {  	s5 =	simm.s32 $_size__tile_overlayer_lowered;
	s6 =	simm.s32 $_tile_overlayer_lowered  }
0x9b: {  	s22 =	simm.s32 $0x1BFF;
	s21 =	sshll.u32 s6, $0x1;
	s3 =	sadd.s32 s4, s19  }
0x9c: {  	s7 =	simm.s32 $0x0;
	s20 =	sshll.u32 s5, $0x1;
	s5 =	sadd.s32 s21, s3  }
0x9d: {  	[timem:s7], [sflag:s22] =	dma.local [hbm:s5], s20  }
0x9e: {  	_ =	swait.ge [sflag:s22], s20  }
0x9f: {  	s4 =	ssub.s32 $0x0, s20;
	[sflag:s22] =	ssyncset.done $0x0  }
0xa0: {  	[sflag:s22] =	ssyncadd.s32 s4;
	_ =	sdelay $0x1  }
0xa1: {  	s23 =	simm.s32 $0x1B8B  }
0xa2: {  	_ =	swait.ge [sflag:s23], $0x1  }
0xa3: {  	[sflag:s23] =	ssyncset.done $0x0  }
0xa4: {  	s25 =	simm.s32 $0x1B8E;
	s24 =	sld [smem:$0x3FFE];
	[sflag:s23] =	ssyncadd.s32 $0xFFFFFFFF  }
0xa5: {  	s26 =	simm.s32 $execute0_lowered;
	[smem:$0x3FD2] =	sst s25  }
0xa6: {  	s5 =	sshll.u32 s26, $0x1;
	_ =	strace $0x80000049;
	[dreg:$0x1] =	wrdreg $0xFFFFFFFF  }
0xa7: {  	s28 =	simm.s32 $_size_execute0_lowered;
	s3 =	sadd.s32 s3, s5;
	[dreg:$0x0] =	wrdreg $0x0  }
0xa8: {  	s5 =	sshll.u32 s28, $0x1;
	[dreg:$0x2] =	wrdreg s3  }
0xa9: {  	[dreg:$0x3] =	wrdreg s5  }
0xaa: {  	[dreg:$0x4] =	wrdreg $0xC0  }
0xab: {  	_ =	task [dreg:s7], $0x5FFFF  }
0xac: {  	[dreg:$0x1] =	wrdreg $0xFFFFFFFF  }
0xad: {  	[dreg:$0x0] =	wrdreg $0x60  }
0xae: {  	[dreg:$0x2] =	wrdreg s24  }
0xaf: {  	[dreg:$0x3] =	wrdreg s2  }
0xb0: {  	[dreg:$0x4] =	wrdreg $0x81000  }
0xb1: {  	[dreg:$0x5] =	wrdreg $0x9  }
0xb2: {  	_ =	task.clear_ibuf [dreg:s7], $0x6FFFF;
	_ =	strace $0x90000049  }
0xb3: {  	s29 =	simm.s32 $0x9;
	_ =	strace $0x8000004B  }
0xb4: {  	_ =	swait.ge [sflag:s29], $0x1  }
0xb5: {  	[sflag:s29] =	ssyncadd.s32 $0xFFFFFFFF  }
0xb6: {  	_ =	strace $0x9000004B  }
0xb7: {  	_ =	sfence  }
0xb8: {  	s30 =	sld [smem:$0x0];
	_ =	sdelay $0x2  }
0xb9: {  	s31 =	sshll.u32 s1, $0xD;
	s1 =	sshrl.u32 s1, $0x2  }
0xba: {  	s3 =	sand.u32 $0x4000, s31;
	s1 =	sadd.s32 s1, s30  }
0xbb: {  	s0 =	sor.u32 s3, s0;
	s1 =	sshll.u32 s1, $0x11  }
0xbc: {  	s0 =	sor.u32 s1, s0  }
0xbd: {  	s0 =	sadd.s32 $0x8F2B, s0  }
0xbe: {  	[sflag:s0] =	ssyncadd.remote.s32 $0x1  }
0xbf: {  	_ =	sfence.sel $0xFFFF  }
0xc0: {  	[dreg:$0x0] =	wrdreg $0xFFFFFFFF;
	(pc) =	sbr.abs _section_cstart, $3  }
0xc1: {  	[dreg:$0x1] =	wrdreg $0xFFFFFFFF  }
0xc2: {  	_ =	task.clear_ibuf [dreg:s7], $0x2FFFF;
	_ =	strace $0x9FFFFFFF  }
0xc3: {  	(tm) =	ssettm $0x7FFFFFFF  }
tec
execute0_lowered:
.L_overlay_start_1:
0x0: {  	(tag) =	ssettag $0x1  }
0x1: {  	s6 =	rddreg [dreg:$0x0]  }
0x2: {  	s18 =	rddreg [dreg:$0x1]  }
0x3: {  	s2 =	rddreg [dreg:$0x2]  }
0x4: {  	s0 =	rddreg [dreg:$0x3];
	s4 =	srdreg.scid  }
0x5: {  	s1 =	stileid.u32;
	s3 =	simm.s32 $0x0;
	s11 =	simm.s32 $0x4F  }
0x6: {  	s20 =	simm.s32 $0x2;
	s21 =	simm.s32 $0x80;
	s22 =	simm.s32 $0x100  }
0x7: {  	s23 =	simm.s32 $0x1;
	s24 =	simm.s32 $0x0;
	s12 =	sand.u32 $0x1, s4  }
0x8: {  	s7 =	smul.u32 $0x280, s1;
	[smem:$0x7FF] =	sst s3;
	s4 =	sadd.s32 $0xC400, s6  }
0x9: {  	s9 =	smul.u32 $0x50000, s1;
	s5 =	sadd.s32 $0xCC00, s6;
	p0 =	slt.u32 s1, $0x2  }
0xa: {  	s14 =	sshll.u32 s1, $0x9;
	s8 =	smul.u32 $0x2800, s12;
	_ =	strace $0x8000004A  }
0xb: {  	s31 =	ssub.s32 $0x2, s12;
	s11 =	simm.s32 @!p0 $0x4E;
	s15 =	sshll.u32 s12, $0x8  }
0xc: {  	s10 =	sshrl.u32 s31, $0x1;
	s9 =	sshrl.u32 s9, $0x2;
	s19 =	sor.u32 s15, s14  }
0xd: {  	s7 =	sadd.s32 s7, s8;
	s17 =	ssub.s32 s31, s10;
	s19 =	sshrl.u32 s19, $0x3  }
0xe: {  	s7 =	sshll.u32 s7, $0x4;
	s17 =	smax.u32 s17, $0x1;
	s18 =	sadd.s32 s19, s18  }
0xf: {  	s19 =	simm.s32 $0x4100;
	s16 =	sadd.s32 s7, s6;
	s6 =	sadd.s32 s9, s2  }
0x10: {  	s7 =	sadd.s32 $0x4000, s6;
	s8 =	sadd.s32 $0x8000, s6;
	s9 =	sadd.s32 $0xC000, s6  }
0x11: {  	s10 =	sadd.s32 $0x10000, s6;
	s12 =	sadd.s32 $0x34C00, s16;
	s13 =	sadd.s32 $0x35400, s16  }
0x12: {  	s14 =	sadd.s32 $0x35C00, s16;
	s15 =	sadd.s32 $0x36400, s16;
	s16 =	sadd.s32 $0x36C00, s16  }
.LBB2_1:
0x13: {  	[tilespmem:s19], [sflag:$0x2] =	stream.linear.gather [hbm4b:s4+s3], $0x4000, $0x38;
	[tilespmem:$0x1C100] =	vst v63  }
0x14: {  	_ =	swait.ge [sflag:s20], $0x4000  }
0x15: {  	[sflag:s20] =	ssyncset.done $0x0  }
0x16: {  	[sflag:s20] =	ssyncadd.s32 $0xFFFFC000  }
0x17: {  	[spmem:s6] =	stream.linear.scatter [tilespmem:s19], [sflag:$0x2], $0x4000, $0x38;
	[tilespmem:$0x1C100] =	vst v63  }
0x18: {  	_ =	swait.ge [sflag:s20], $0x4000  }
0x19: {  	[sflag:s20] =	ssyncset.done $0x0  }
0x1a: {  	[sflag:s20] =	ssyncadd.s32 $0xFFFFC000  }
0x1b: {  	[spmem:s7] =	stream.linear.scatter [tilespmem:s19], [sflag:$0x2], $0x4000, $0x38;
	[tilespmem:$0x1C100] =	vst v63  }
0x1c: {  	_ =	swait.ge [sflag:s20], $0x4000  }
0x1d: {  	[sflag:s20] =	ssyncset.done $0x0  }
0x1e: {  	[sflag:s20] =	ssyncadd.s32 $0xFFFFC000  }
0x1f: {  	[spmem:s8] =	stream.linear.scatter [tilespmem:s19], [sflag:$0x2], $0x4000, $0x38;
	[tilespmem:$0x1C100] =	vst v63  }
0x20: {  	_ =	swait.ge [sflag:s20], $0x4000  }
0x21: {  	[sflag:s20] =	ssyncset.done $0x0  }
0x22: {  	[sflag:s20] =	ssyncadd.s32 $0xFFFFC000  }
0x23: {  	[spmem:s9] =	stream.linear.scatter [tilespmem:s19], [sflag:$0x2], $0x4000, $0x38;
	[tilespmem:$0x1C100] =	vst v63  }
0x24: {  	_ =	swait.ge [sflag:s20], $0x4000  }
0x25: {  	[sflag:s20] =	ssyncset.done $0x0  }
0x26: {  	[sflag:s20] =	ssyncadd.s32 $0xFFFFC000  }
0x27: {  	[spmem:s10] =	stream.linear.scatter [tilespmem:s19], [sflag:$0x2], $0x4000, $0x38;
	[tilespmem:$0x1C100] =	vst v63  }
0x28: {  	_ =	swait.ge [sflag:s20], $0x4000  }
0x29: {  	[sflag:s20] =	ssyncset.done $0x0  }
0x2a: {  	[sflag:s20] =	ssyncadd.s32 $0xFFFFC000  }
0x2b: {  	[bflag:$0x0] =	sbarrier.arrive $0xFFFF  }
0x2c: {  	[tilespmem:s3], [sflag:$0x2] =	stream.linear.gather [hbm4b:s18+s3], $0x100, $0x38;
	[tilespmem:$0x1C100] =	vst v63  }
0x2d: {  	_ =	swait.ge [sflag:s20], $0x100  }
0x2e: {  	[sflag:s20] =	ssyncset.done $0x0  }
0x2f: {  	[sflag:s20] =	ssyncadd.s32 $0xFFFFFF00  }
0x30: {  	[tilespmem:s22], [sflag:$0x1] =	stream.indirect.gather [hbm4b:s5+s21], $0x80, s3, s21, $0xb8;
	[tilespmem:$0x1C100] =	vst v63  }
0x31: {  	p0 =	sne.s32 s11, $0x1;
	_ =	swait.ge [sflag:s23], $0x4000  }
.Ltmp0:
0x32: {  	[sflag:s23] =	ssyncset.done $0x0;
	(pc) =	sbr.rel @!p0 .LBB2_3-.Ltmp0, $4  }
0x33: {  	[sflag:s23] =	ssyncadd.s32 $0xFFFFC000  }
0x34: {  	[spmem:s2] =	stream.indirect.scatter.add.f32 [tilespmem:s22], [sflag:$0x2], $0x80, s21, s21, $0xb8;
	[tilespmem:$0x1C100] =	vst v63  }
0x35: {  	_ =	swait.ge [sflag:s20], $0x4000  }
0x36: {  	s25 =	sadd.s32 $0xFFFFFFFF, s11;
	s26 =	smov.u32 s18;
	[sflag:s20] =	ssyncset.done $0x0  }
.LBB2_2:
0x37: {  	p0 =	sne.s32 s25, $0x1;
	[sflag:s20] =	ssyncadd.s32 $0xFFFFC000;
	s26 =	sadd.s32 $0x400, s26  }
0x38: {  	[tilespmem:s3], [sflag:$0x2] =	stream.linear.gather [hbm4b:s26+s3], $0x100, $0x38;
	[tilespmem:$0x1C100] =	vst v63  }
0x39: {  	s25 =	sadd.s32 $0xFFFFFFFF, s25;
	_ =	swait.ge [sflag:s20], $0x100  }
0x3a: {  	[sflag:s20] =	ssyncset.done $0x0  }
0x3b: {  	[sflag:s20] =	ssyncadd.s32 $0xFFFFFF00  }
0x3c: {  	[tilespmem:s22], [sflag:$0x1] =	stream.indirect.gather [hbm4b:s5+s21], $0x80, s3, s21, $0xb8;
	[tilespmem:$0x1C100] =	vst v63  }
0x3d: {  	_ =	swait.ge [sflag:s23], $0x4000  }
.Ltmp1:
0x3e: {  	[sflag:s23] =	ssyncset.done $0x0;
	(pc) =	sbr.rel @p0 .LBB2_2-.Ltmp1, $4  }
0x3f: {  	[sflag:s23] =	ssyncadd.s32 $0xFFFFC000  }
0x40: {  	[spmem:s2] =	stream.indirect.scatter.add.f32 [tilespmem:s22], [sflag:$0x2], $0x80, s21, s21, $0xb8;
	[tilespmem:$0x1C100] =	vst v63  }
0x41: {  	_ =	swait.ge [sflag:s20], $0x4000  }
0x42: {  	[sflag:s20] =	ssyncset.done $0x0  }
.LBB2_3:
0x43: {  	[sflag:s20] =	ssyncadd.s32 $0xFFFFC000  }
0x44: {  	[bflag:$0x0] =	sbarrier.arrive $0xFFFF  }
0x45: {  	[tilespmem:s19], [sflag:$0x2] =	stream.linear.gather [spmem:s6], $0x4000, $0x38;
	[tilespmem:$0x1C100] =	vst v63  }
0x46: {  	_ =	swait.ge [sflag:s20], $0x4000  }
0x47: {  	[sflag:s20] =	ssyncset.done $0x0  }
0x48: {  	[sflag:s20] =	ssyncadd.s32 $0xFFFFC000  }
0x49: {  	[hbm4b:s12+s3] =	stream.linear.scatter [tilespmem:s19], [sflag:$0x2], $0x4000, $0x38;
	[tilespmem:$0x1C100] =	vst v63  }
0x4a: {  	_ =	swait.ge [sflag:s20], $0x4000  }
0x4b: {  	[sflag:s20] =	ssyncset.done $0x0  }
0x4c: {  	[sflag:s20] =	ssyncadd.s32 $0xFFFFC000  }
0x4d: {  	[tilespmem:s19], [sflag:$0x2] =	stream.linear.gather [spmem:s7], $0x4000, $0x38;
	[tilespmem:$0x1C100] =	vst v63  }
0x4e: {  	_ =	swait.ge [sflag:s20], $0x4000  }
0x4f: {  	[sflag:s20] =	ssyncset.done $0x0  }
0x50: {  	[sflag:s20] =	ssyncadd.s32 $0xFFFFC000  }
0x51: {  	[hbm4b:s13+s3] =	stream.linear.scatter [tilespmem:s19], [sflag:$0x2], $0x4000, $0x38;
	[tilespmem:$0x1C100] =	vst v63  }
0x52: {  	_ =	swait.ge [sflag:s20], $0x4000  }
0x53: {  	[sflag:s20] =	ssyncset.done $0x0  }
0x54: {  	[sflag:s20] =	ssyncadd.s32 $0xFFFFC000  }
0x55: {  	[tilespmem:s19], [sflag:$0x2] =	stream.linear.gather [spmem:s8], $0x4000, $0x38;
	[tilespmem:$0x1C100] =	vst v63  }
0x56: {  	_ =	swait.ge [sflag:s20], $0x4000  }
0x57: {  	[sflag:s20] =	ssyncset.done $0x0  }
0x58: {  	[sflag:s20] =	ssyncadd.s32 $0xFFFFC000  }
0x59: {  	[hbm4b:s14+s3] =	stream.linear.scatter [tilespmem:s19], [sflag:$0x2], $0x4000, $0x38;
	[tilespmem:$0x1C100] =	vst v63  }
0x5a: {  	_ =	swait.ge [sflag:s20], $0x4000  }
0x5b: {  	[sflag:s20] =	ssyncset.done $0x0  }
0x5c: {  	[sflag:s20] =	ssyncadd.s32 $0xFFFFC000  }
0x5d: {  	[tilespmem:s19], [sflag:$0x2] =	stream.linear.gather [spmem:s9], $0x4000, $0x38;
	[tilespmem:$0x1C100] =	vst v63  }
0x5e: {  	_ =	swait.ge [sflag:s20], $0x4000  }
0x5f: {  	[sflag:s20] =	ssyncset.done $0x0  }
0x60: {  	[sflag:s20] =	ssyncadd.s32 $0xFFFFC000  }
0x61: {  	[hbm4b:s15+s3] =	stream.linear.scatter [tilespmem:s19], [sflag:$0x2], $0x4000, $0x38;
	[tilespmem:$0x1C100] =	vst v63  }
0x62: {  	_ =	swait.ge [sflag:s20], $0x4000  }
0x63: {  	[sflag:s20] =	ssyncset.done $0x0  }
0x64: {  	[sflag:s20] =	ssyncadd.s32 $0xFFFFC000  }
0x65: {  	[tilespmem:s19], [sflag:$0x2] =	stream.linear.gather [spmem:s10], $0x4000, $0x38;
	[tilespmem:$0x1C100] =	vst v63  }
0x66: {  	s24 =	sadd.s32 $0x1, s24;
	_ =	swait.ge [sflag:s20], $0x4000  }
0x67: {  	p0 =	sne.s32 s24, s17;
	[sflag:s20] =	ssyncset.done $0x0  }
.Ltmp2:
0x68: {  	[sflag:s20] =	ssyncadd.s32 $0xFFFFC000;
	(pc) =	sbr.rel @p0 .LBB2_1-.Ltmp2, $4  }
0x69: {  	[hbm4b:s16+s3] =	stream.linear.scatter [tilespmem:s19], [sflag:$0x2], $0x4000, $0x38;
	[tilespmem:$0x1C100] =	vst v63  }
0x6a: {  	_ =	swait.ge [sflag:s20], $0x4000  }
0x6b: {  	[sflag:s20] =	ssyncset.done $0x0  }
0x6c: {  	[sflag:s20] =	ssyncadd.s32 $0xFFFFC000  }
0x6d: {  	_ =	sfence.sel $0x180000  }
0x6e: {  	[bflag:$0x0] =	sbarrier.arrive $0xFFFF  }
0x6f: {  	p0 =	sne.s32 s1, $0x0;
	_ =	strace $0x9000004A  }
0x70: {  	s0 =	sadd.s32 @!p0 $0x100000, s0;
	[bflag:$0x2] =	sbarrier.arrive $0xFFFF  }
0x71: {  	[sflag:s0] =	ssyncadd.tile.s32 @!p0 $0x1;
	_ =	shalt  }
.Lfunc_end2:
_tile_overlayer_lowered:
.L_overlay_start_2:
0x72: {  	(tag) =	ssettag $0x2  }
0x73: {  	s0 =	rddreg [dreg:$0x0];
	s2 =	stileid.u32  }
0x74: {  	s1 =	rddreg [dreg:$0x1];
	p0 =	sne.s32 s2, $0x0  }
0x75: {  	s3 =	rddreg [dreg:$0x2];
	[bflag:$0x3] =	sbarrier.arrive $0xFFFF;
	s2 =	simm.s32 @!p0 $0x1C02  }
0x76: {  	[timem:s3], [sflag:s2] =	dma.local @!p0 [hbm:s0], s1  }
0x77: {  	s0 =	simm.s32 @!p0 $0x2  }
0x78: {  	_ =	swait.ge @!p0 [sflag:s0], s1  }
0x79: {  	s1 =	ssub.s32 @!p0 $0x0, s1;
	[sflag:s0] =	ssyncset.done @!p0 $0x0  }
0x7a: {  	[sflag:s0] =	ssyncadd.s32 @!p0 s1  }
0x7b: {  	[bflag:$0x3] =	sbarrier.arrive $0xFFFF  }
0x7c: {  	_ =	shalt  }

// kernel: kernel.14.cloned.1.call-start
scs
__scs_entry_jumppad:
0x0: {  	(pc) =	sbr.rel $0x88, $3  }
0x1: {  	(tag) =	ssettag $0x0;
	lr =	simm.s32 $0x1  }
0x2: {  	[smem:$0x3F9B] =	sst lr;
	_ =	strace $0xD0000000  }
0x3: {  	_ = 	snop  }
0x4: {  	_ = 	snop  }
0x5: {  	_ = 	snop  }
0x6: {  	_ = 	snop  }
0x7: {  	_ = 	snop  }
__scs_overlays_trampoline_lowered:
0x8: {  	[smem:$0x3FAA] =	sst s0  }
0x9: {  	[smem:$0x3FAB] =	sst s1  }
0xa: {  	[smem:$0x3FAC] =	sst s2  }
0xb: {  	[smem:$0x3FAD] =	sst s3  }
0xc: {  	[smem:$0x3FAE] =	sst s4  }
0xd: {  	[smem:$0x3FAF] =	sst s5  }
0xe: {  	[smem:$0x3FB0] =	sst s6  }
0xf: {  	[smem:$0x3FB1] =	sst s7  }
0x10: {  	[smem:$0x3FB2] =	sst s8  }
0x11: {  	[smem:$0x3FB3] =	sst s9;
	s0 =	simm.s32 @!p0 $0x0  }
0x12: {  	s1 =	sld [smem:$0x3F99];
	s0 =	simm.s32 @p0 $0x1  }
0x13: {  	[smem:$0x3FB4] =	sst s0;
	s0 =	simm.s32 @!p1 $0x0  }
0x14: {  	s2 =	sld [smem:$0x3F98];
	s0 =	simm.s32 @p1 $0x1  }
0x15: {  	[smem:$0x3FB5] =	sst s0;
	s0 =	simm.s32 @!p2 $0x0  }
0x16: {  	s3 =	sld [smem:$0x3FDB];
	s0 =	simm.s32 @p2 $0x1  }
0x17: {  	s4 =	simm.s32 $0x1BF5;
	[smem:$0x3FB7] =	sst s0  }
0x18: {  	s0 =	sld [smem:$0x3F9A];
	_ =	swait.ge [sflag:s4], $0x0  }
0x19: {  	s7 =	sld [smem:$0x3F9B]  }
0x1a: {  	s8 =	sadd.s32 $0xFFFFE003, lr  }
0x1b: {  	s9 =	sadd.s32 $0xFFFFFEF7, lr;
	s5 =	simm.s32 $0xFFFFFFFF;
	p2 =	slt.u32 s8, $0xFFFFF086  }
0x1c: {  	p1 =	slt.u32 s9, $0xF7A;
	s5 =	simm.s32 @!p2 $0x0  }
0x1d: {  	s5 =	simm.s32 @p1 $0x1;
	p0 =	seq.s32 s7, s2  }
0x1e: {  	s7 =	smul.u32 @!p0 $0xF7A, s2;
	p2 =	seq.s32 @!p0 s5, $0x0  }
0x1f: {  	s9 =	smul.u32 $0xF7A, s1;
	s8 =	simm.s32 @!p0 $0x1BF5;
	p2 =	por !p2, p0  }
0x20: {  	[sflag:s8] =	ssyncset.s32 @!p0 $0xFFFFF086;
	s6 =	sadd.s32 @!p0 s3, s7;
	s7 =	simm.s32 @!p0 $0x108  }
0x21: {  	s3 =	sadd.s32 s3, s9;
	s6 =	sadd.s32 @!p0 $0x88, s6;
	s7 =	simm.s32 @p2 $0x1082  }
0x22: {  	[simem:s7], [sflag:s8] =	dma.local @!p0 [hbm:s6], $0xF7A  }
0x23: {  	s9 =	sor.u32 $0xD0000000, s2;
	s6 =	simm.s32 $0x108;
	_ =	swait.ge @!p0 [sflag:s8], $0x0  }
0x24: {  	s3 =	sadd.s32 $0x88, s3;
	s6 =	simm.s32 @!p1 $0x1082;
	[sflag:s4] =	ssyncset.s32 $0xFFFFF086  }
0x25: {  	[simem:s6], [sflag:s4] =	dma.local [hbm:s3], $0xF7A  }
0x26: {  	[smem:$0x3F9B] =	sst s1;
	(tag) =	ssettag s2;
	_ =	strace s9  }
0x27: {  	s1 =	sld [smem:$0x3FAB]  }
0x28: {  	s2 =	sld [smem:$0x3FAC]  }
0x29: {  	s4 =	sld [smem:$0x3FAE]  }
0x2a: {  	p0 =	seq.s32 s5, $0x0;
	s5 =	sld [smem:$0x3FAF]  }
0x2b: {  	s6 =	sld [smem:$0x3FB0]  }
0x2c: {  	s7 =	sld [smem:$0x3FB1]  }
0x2d: {  	s3 =	simm.s32 $0x108;
	s8 =	sld [smem:$0x3FB2]  }
0x2e: {  	s3 =	simm.s32 @!p0 $0x1082;
	s9 =	sld [smem:$0x3FB3]  }
0x2f: {  	lr =	sadd.s32 s0, s3;
	s0 =	sld [smem:$0x3FAA]  }
0x30: {  	s3 =	sld [smem:$0x3FAD]  }
0x31: {  	[smem:$0x3FB6] =	sst s10  }
0x32: {  	s10 =	sld [smem:$0x3FB4];
	_ =	sdelay $0x3  }
0x33: {  	p0 =	seq.s32 s10, $0x1;
	s10 =	sld [smem:$0x3FB6];
	_ =	sdelay $0x3  }
0x34: {  	[smem:$0x3FB6] =	sst s10  }
0x35: {  	s10 =	sld [smem:$0x3FB5];
	_ =	sdelay $0x3  }
0x36: {  	p1 =	seq.s32 s10, $0x1;
	s10 =	sld [smem:$0x3FB6];
	_ =	sdelay $0x3  }
0x37: {  	[smem:$0x3FB6] =	sst s10  }
0x38: {  	s10 =	sld [smem:$0x3FB7]  }
0x39: {  	_ = 	snop;
	(pc) =	sbr.ind lr, $3  }
0x3a: {  	_ = 	snop  }
0x3b: {  	_ = 	snop  }
0x3c: {  	p2 =	seq.s32 s10, $0x1;
	s10 =	sld [smem:$0x3FB6]  }
0x3d: {  	_ =	shalt  }
0x3e: {  	_ =	shalt  }
0x3f: {  	_ =	shalt  }
0x40: {  	_ =	shalt  }
0x41: {  	_ =	shalt  }
0x42: {  	_ =	shalt  }
0x43: {  	_ =	shalt  }
0x44: {  	_ =	shalt  }
0x45: {  	_ =	shalt  }
0x46: {  	_ =	shalt  }
0x47: {  	_ =	shalt  }
0x48: {  	_ =	shalt  }
0x49: {  	_ =	shalt  }
0x4a: {  	_ =	shalt  }
0x4b: {  	_ =	shalt  }
0x4c: {  	_ =	shalt  }
0x4d: {  	_ =	shalt  }
0x4e: {  	_ =	shalt  }
0x4f: {  	_ =	shalt  }
0x50: {  	_ =	shalt  }
0x51: {  	_ =	shalt  }
0x52: {  	_ =	shalt  }
0x53: {  	_ =	shalt  }
0x54: {  	_ =	shalt  }
0x55: {  	_ =	shalt  }
0x56: {  	_ =	shalt  }
0x57: {  	_ =	shalt  }
0x58: {  	_ =	shalt  }
0x59: {  	_ =	shalt  }
0x5a: {  	_ =	shalt  }
0x5b: {  	_ =	shalt  }
0x5c: {  	_ =	shalt  }
0x5d: {  	_ =	shalt  }
0x5e: {  	_ =	shalt  }
0x5f: {  	_ =	shalt  }
0x60: {  	_ =	shalt  }
0x61: {  	_ =	shalt  }
0x62: {  	_ =	shalt  }
0x63: {  	_ =	shalt  }
0x64: {  	_ =	shalt  }
0x65: {  	_ =	shalt  }
0x66: {  	_ =	shalt  }
0x67: {  	_ =	shalt  }
0x68: {  	_ =	shalt  }
0x69: {  	_ =	shalt  }
0x6a: {  	_ =	shalt  }
0x6b: {  	_ =	shalt  }
0x6c: {  	_ =	shalt  }
0x6d: {  	_ =	shalt  }
0x6e: {  	_ =	shalt  }
0x6f: {  	_ =	shalt  }
0x70: {  	_ =	shalt  }
0x71: {  	_ =	shalt  }
0x72: {  	_ =	shalt  }
0x73: {  	_ =	shalt  }
0x74: {  	_ =	shalt  }
0x75: {  	_ =	shalt  }
0x76: {  	_ =	shalt  }
0x77: {  	_ =	shalt  }
0x78: {  	_ =	shalt  }
0x79: {  	_ =	shalt  }
0x7a: {  	_ =	shalt  }
0x7b: {  	_ =	shalt  }
0x7c: {  	_ =	shalt  }
0x7d: {  	_ =	shalt  }
0x7e: {  	_ =	shalt  }
0x7f: {  	_ =	shalt  }
0x80: {  	_ =	shalt  }
0x81: {  	_ =	shalt  }
0x82: {  	_ =	shalt  }
0x83: {  	_ =	shalt  }
0x84: {  	_ =	shalt  }
0x85: {  	_ =	shalt  }
0x86: {  	_ =	shalt  }
0x87: {  	_ =	shalt  }
.Lfunc_end0:
.L_simem_size_0:
called_computation.2_lowered:
.L_overlay_start_0:
0x88: {  	s2 =	sld [smem:$0x3FD9]  }
0x89: {  	s3 =	sld [smem:$0x3FFE];
	_ =	sdelay $0x1  }
0x8a: {  	s1 =	srdreg.scid  }
0x8b: {  	s0 =	sand.u32 $0x1, s1  }
0x8c: {  	s17 =	sshll.u32 s0, $0xA;
	s2 =	sadd.s32 s3, s2  }
0x8d: {  	s2 =	sadd.s32 s2, s17  }
0x8e: {  	[smem:$0x3FC2] =	sst s2  }
0x8f: {  	_ = 	snop  }
0x90: {  	s2 =	sld [smem:$0x3FD0];
	(tm) =	ssettm $0x1  }
0x91: {  	s18 =	sld [smem:$0x3FFB];
	_ =	sdelay $0x3  }
0x92: {  	_ =	strace s18  }
0x93: {  	s3 =	sld [smem:$0x3FFC];
	_ =	sdelay $0x3  }
0x94: {  	_ =	strace s3  }
0x95: {  	s3 =	sld [smem:$0x3FFD];
	_ =	sdelay $0x3  }
0x96: {  	_ =	strace s3  }
0x97: {  	_ =	strace $0x8FFFFFFF  }
0x98: {  	s19 =	sld [smem:$0x3FDB];
	_ =	sdelay $0x1  }
0x99: {  	s4 =	simm.s32 $_scs_section_size  }
0x9a: {  	s5 =	simm.s32 $_size__tile_overlayer_lowered;
	s6 =	simm.s32 $_tile_overlayer_lowered  }
0x9b: {  	s22 =	simm.s32 $0x1BFF;
	s21 =	sshll.u32 s6, $0x1;
	s3 =	sadd.s32 s4, s19  }
0x9c: {  	s7 =	simm.s32 $0x0;
	s20 =	sshll.u32 s5, $0x1;
	s5 =	sadd.s32 s21, s3  }
0x9d: {  	[timem:s7], [sflag:s22] =	dma.local [hbm:s5], s20  }
0x9e: {  	_ =	swait.ge [sflag:s22], s20  }
0x9f: {  	s4 =	ssub.s32 $0x0, s20;
	[sflag:s22] =	ssyncset.done $0x0  }
0xa0: {  	[sflag:s22] =	ssyncadd.s32 s4;
	_ =	sdelay $0x1  }
0xa1: {  	s23 =	simm.s32 $0x1B8B  }
0xa2: {  	_ =	swait.ge [sflag:s23], $0x1  }
0xa3: {  	[sflag:s23] =	ssyncset.done $0x0  }
0xa4: {  	s25 =	simm.s32 $0x1B8E;
	s24 =	sld [smem:$0x3FFE];
	[sflag:s23] =	ssyncadd.s32 $0xFFFFFFFF  }
0xa5: {  	s26 =	simm.s32 $execute0_lowered;
	[smem:$0x3FD2] =	sst s25  }
0xa6: {  	s5 =	sshll.u32 s26, $0x1;
	_ =	strace $0x8000004C;
	[dreg:$0x1] =	wrdreg $0xFFFFFFFF  }
0xa7: {  	s28 =	simm.s32 $_size_execute0_lowered;
	s3 =	sadd.s32 s3, s5;
	[dreg:$0x0] =	wrdreg $0x0  }
0xa8: {  	s5 =	sshll.u32 s28, $0x1;
	[dreg:$0x2] =	wrdreg s3  }
0xa9: {  	[dreg:$0x3] =	wrdreg s5  }
0xaa: {  	[dreg:$0x4] =	wrdreg $0xC0  }
0xab: {  	_ =	task [dreg:s7], $0x5FFFF  }
0xac: {  	[dreg:$0x1] =	wrdreg $0xFFFFFFFF  }
0xad: {  	[dreg:$0x0] =	wrdreg $0x60  }
0xae: {  	[dreg:$0x2] =	wrdreg s24  }
0xaf: {  	[dreg:$0x3] =	wrdreg s2  }
0xb0: {  	[dreg:$0x4] =	wrdreg $0x81000  }
0xb1: {  	[dreg:$0x5] =	wrdreg $0x9  }
0xb2: {  	_ =	task.clear_ibuf [dreg:s7], $0x6FFFF;
	_ =	strace $0x9000004C  }
0xb3: {  	s29 =	simm.s32 $0x9;
	_ =	strace $0x8000004E  }
0xb4: {  	_ =	swait.ge [sflag:s29], $0x1  }
0xb5: {  	[sflag:s29] =	ssyncadd.s32 $0xFFFFFFFF  }
0xb6: {  	_ =	strace $0x9000004E  }
0xb7: {  	_ =	sfence  }
0xb8: {  	s30 =	sld [smem:$0x0];
	_ =	sdelay $0x2  }
0xb9: {  	s31 =	sshll.u32 s1, $0xD;
	s1 =	sshrl.u32 s1, $0x2  }
0xba: {  	s3 =	sand.u32 $0x4000, s31;
	s1 =	sadd.s32 s1, s30  }
0xbb: {  	s0 =	sor.u32 s3, s0;
	s1 =	sshll.u32 s1, $0x11  }
0xbc: {  	s0 =	sor.u32 s1, s0  }
0xbd: {  	s0 =	sadd.s32 $0x8F2B, s0  }
0xbe: {  	[sflag:s0] =	ssyncadd.remote.s32 $0x1  }
0xbf: {  	_ =	sfence.sel $0xFFFF  }
0xc0: {  	[dreg:$0x0] =	wrdreg $0xFFFFFFFF;
	(pc) =	sbr.abs _section_cstart, $3  }
0xc1: {  	[dreg:$0x1] =	wrdreg $0xFFFFFFFF  }
0xc2: {  	_ =	task.clear_ibuf [dreg:s7], $0x2FFFF;
	_ =	strace $0x9FFFFFFF  }
0xc3: {  	(tm) =	ssettm $0x7FFFFFFF  }
tec
execute0_lowered:
.L_overlay_start_1:
0x0: {  	(tag) =	ssettag $0x1  }
0x1: {  	s6 =	rddreg [dreg:$0x0]  }
0x2: {  	s18 =	rddreg [dreg:$0x1]  }
0x3: {  	s2 =	rddreg [dreg:$0x2]  }
0x4: {  	s0 =	rddreg [dreg:$0x3];
	s4 =	srdreg.scid  }
0x5: {  	s1 =	stileid.u32;
	s3 =	simm.s32 $0x0;
	s11 =	simm.s32 $0x4F  }
0x6: {  	s20 =	simm.s32 $0x2;
	s21 =	simm.s32 $0x80;
	s22 =	simm.s32 $0x100  }
0x7: {  	s23 =	simm.s32 $0x1;
	s24 =	simm.s32 $0x0;
	s12 =	sand.u32 $0x1, s4  }
0x8: {  	s7 =	smul.u32 $0x280, s1;
	[smem:$0x7FF] =	sst s3;
	s4 =	sadd.s32 $0xC400, s6  }
0x9: {  	s9 =	smul.u32 $0x50000, s1;
	s5 =	sadd.s32 $0xCC00, s6;
	p0 =	slt.u32 s1, $0x2  }
0xa: {  	s14 =	sshll.u32 s1, $0x9;
	s8 =	smul.u32 $0x2800, s12;
	_ =	strace $0x8000004D  }
0xb: {  	s31 =	ssub.s32 $0x2, s12;
	s11 =	simm.s32 @!p0 $0x4E;
	s15 =	sshll.u32 s12, $0x8  }
0xc: {  	s10 =	sshrl.u32 s31, $0x1;
	s9 =	sshrl.u32 s9, $0x2;
	s19 =	sor.u32 s15, s14  }
0xd: {  	s7 =	sadd.s32 s7, s8;
	s17 =	ssub.s32 s31, s10;
	s19 =	sshrl.u32 s19, $0x3  }
0xe: {  	s7 =	sshll.u32 s7, $0x4;
	s17 =	smax.u32 s17, $0x1;
	s18 =	sadd.s32 s19, s18  }
0xf: {  	s19 =	simm.s32 $0x4100;
	s16 =	sadd.s32 s7, s6;
	s6 =	sadd.s32 s9, s2  }
0x10: {  	s7 =	sadd.s32 $0x4000, s6;
	s8 =	sadd.s32 $0x8000, s6;
	s9 =	sadd.s32 $0xC000, s6  }
0x11: {  	s10 =	sadd.s32 $0x10000, s6;
	s12 =	sadd.s32 $0x34C00, s16;
	s13 =	sadd.s32 $0x35400, s16  }
0x12: {  	s14 =	sadd.s32 $0x35C00, s16;
	s15 =	sadd.s32 $0x36400, s16;
	s16 =	sadd.s32 $0x36C00, s16  }
.LBB2_1:
0x13: {  	[tilespmem:s19], [sflag:$0x2] =	stream.linear.gather [hbm4b:s4+s3], $0x4000, $0x38;
	[tilespmem:$0x1C100] =	vst v63  }
0x14: {  	_ =	swait.ge [sflag:s20], $0x4000  }
0x15: {  	[sflag:s20] =	ssyncset.done $0x0  }
0x16: {  	[sflag:s20] =	ssyncadd.s32 $0xFFFFC000  }
0x17: {  	[spmem:s6] =	stream.linear.scatter [tilespmem:s19], [sflag:$0x2], $0x4000, $0x38;
	[tilespmem:$0x1C100] =	vst v63  }
0x18: {  	_ =	swait.ge [sflag:s20], $0x4000  }
0x19: {  	[sflag:s20] =	ssyncset.done $0x0  }
0x1a: {  	[sflag:s20] =	ssyncadd.s32 $0xFFFFC000  }
0x1b: {  	[spmem:s7] =	stream.linear.scatter [tilespmem:s19], [sflag:$0x2], $0x4000, $0x38;
	[tilespmem:$0x1C100] =	vst v63  }
0x1c: {  	_ =	swait.ge [sflag:s20], $0x4000  }
0x1d: {  	[sflag:s20] =	ssyncset.done $0x0  }
0x1e: {  	[sflag:s20] =	ssyncadd.s32 $0xFFFFC000  }
0x1f: {  	[spmem:s8] =	stream.linear.scatter [tilespmem:s19], [sflag:$0x2], $0x4000, $0x38;
	[tilespmem:$0x1C100] =	vst v63  }
0x20: {  	_ =	swait.ge [sflag:s20], $0x4000  }
0x21: {  	[sflag:s20] =	ssyncset.done $0x0  }
0x22: {  	[sflag:s20] =	ssyncadd.s32 $0xFFFFC000  }
0x23: {  	[spmem:s9] =	stream.linear.scatter [tilespmem:s19], [sflag:$0x2], $0x4000, $0x38;
	[tilespmem:$0x1C100] =	vst v63  }
0x24: {  	_ =	swait.ge [sflag:s20], $0x4000  }
0x25: {  	[sflag:s20] =	ssyncset.done $0x0  }
0x26: {  	[sflag:s20] =	ssyncadd.s32 $0xFFFFC000  }
0x27: {  	[spmem:s10] =	stream.linear.scatter [tilespmem:s19], [sflag:$0x2], $0x4000, $0x38;
	[tilespmem:$0x1C100] =	vst v63  }
0x28: {  	_ =	swait.ge [sflag:s20], $0x4000  }
0x29: {  	[sflag:s20] =	ssyncset.done $0x0  }
0x2a: {  	[sflag:s20] =	ssyncadd.s32 $0xFFFFC000  }
0x2b: {  	[bflag:$0x0] =	sbarrier.arrive $0xFFFF  }
0x2c: {  	[tilespmem:s3], [sflag:$0x2] =	stream.linear.gather [hbm4b:s18+s3], $0x100, $0x38;
	[tilespmem:$0x1C100] =	vst v63  }
0x2d: {  	_ =	swait.ge [sflag:s20], $0x100  }
0x2e: {  	[sflag:s20] =	ssyncset.done $0x0  }
0x2f: {  	[sflag:s20] =	ssyncadd.s32 $0xFFFFFF00  }
0x30: {  	[tilespmem:s22], [sflag:$0x1] =	stream.indirect.gather [hbm4b:s5+s21], $0x80, s3, s21, $0xb8;
	[tilespmem:$0x1C100] =	vst v63  }
0x31: {  	p0 =	sne.s32 s11, $0x1;
	_ =	swait.ge [sflag:s23], $0x4000  }
.Ltmp0:
0x32: {  	[sflag:s23] =	ssyncset.done $0x0;
	(pc) =	sbr.rel @!p0 .LBB2_3-.Ltmp0, $4  }
0x33: {  	[sflag:s23] =	ssyncadd.s32 $0xFFFFC000  }
0x34: {  	[spmem:s2] =	stream.indirect.scatter.add.f32 [tilespmem:s22], [sflag:$0x2], $0x80, s21, s21, $0xb8;
	[tilespmem:$0x1C100] =	vst v63  }
0x35: {  	_ =	swait.ge [sflag:s20], $0x4000  }
0x36: {  	s25 =	sadd.s32 $0xFFFFFFFF, s11;
	s26 =	smov.u32 s18;
	[sflag:s20] =	ssyncset.done $0x0  }
.LBB2_2:
0x37: {  	p0 =	sne.s32 s25, $0x1;
	[sflag:s20] =	ssyncadd.s32 $0xFFFFC000;
	s26 =	sadd.s32 $0x400, s26  }
0x38: {  	[tilespmem:s3], [sflag:$0x2] =	stream.linear.gather [hbm4b:s26+s3], $0x100, $0x38;
	[tilespmem:$0x1C100] =	vst v63  }
0x39: {  	s25 =	sadd.s32 $0xFFFFFFFF, s25;
	_ =	swait.ge [sflag:s20], $0x100  }
0x3a: {  	[sflag:s20] =	ssyncset.done $0x0  }
0x3b: {  	[sflag:s20] =	ssyncadd.s32 $0xFFFFFF00  }
0x3c: {  	[tilespmem:s22], [sflag:$0x1] =	stream.indirect.gather [hbm4b:s5+s21], $0x80, s3, s21, $0xb8;
	[tilespmem:$0x1C100] =	vst v63  }
0x3d: {  	_ =	swait.ge [sflag:s23], $0x4000  }
.Ltmp1:
0x3e: {  	[sflag:s23] =	ssyncset.done $0x0;
	(pc) =	sbr.rel @p0 .LBB2_2-.Ltmp1, $4  }
0x3f: {  	[sflag:s23] =	ssyncadd.s32 $0xFFFFC000  }
0x40: {  	[spmem:s2] =	stream.indirect.scatter.add.f32 [tilespmem:s22], [sflag:$0x2], $0x80, s21, s21, $0xb8;
	[tilespmem:$0x1C100] =	vst v63  }
0x41: {  	_ =	swait.ge [sflag:s20], $0x4000  }
0x42: {  	[sflag:s20] =	ssyncset.done $0x0  }
.LBB2_3:
0x43: {  	[sflag:s20] =	ssyncadd.s32 $0xFFFFC000  }
0x44: {  	[bflag:$0x0] =	sbarrier.arrive $0xFFFF  }
0x45: {  	[tilespmem:s19], [sflag:$0x2] =	stream.linear.gather [spmem:s6], $0x4000, $0x38;
	[tilespmem:$0x1C100] =	vst v63  }
0x46: {  	_ =	swait.ge [sflag:s20], $0x4000  }
0x47: {  	[sflag:s20] =	ssyncset.done $0x0  }
0x48: {  	[sflag:s20] =	ssyncadd.s32 $0xFFFFC000  }
0x49: {  	[hbm4b:s12+s3] =	stream.linear.scatter [tilespmem:s19], [sflag:$0x2], $0x4000, $0x38;
	[tilespmem:$0x1C100] =	vst v63  }
0x4a: {  	_ =	swait.ge [sflag:s20], $0x4000  }
0x4b: {  	[sflag:s20] =	ssyncset.done $0x0  }
0x4c: {  	[sflag:s20] =	ssyncadd.s32 $0xFFFFC000  }
0x4d: {  	[tilespmem:s19], [sflag:$0x2] =	stream.linear.gather [spmem:s7], $0x4000, $0x38;
	[tilespmem:$0x1C100] =	vst v63  }
0x4e: {  	_ =	swait.ge [sflag:s20], $0x4000  }
0x4f: {  	[sflag:s20] =	ssyncset.done $0x0  }
0x50: {  	[sflag:s20] =	ssyncadd.s32 $0xFFFFC000  }
0x51: {  	[hbm4b:s13+s3] =	stream.linear.scatter [tilespmem:s19], [sflag:$0x2], $0x4000, $0x38;
	[tilespmem:$0x1C100] =	vst v63  }
0x52: {  	_ =	swait.ge [sflag:s20], $0x4000  }
0x53: {  	[sflag:s20] =	ssyncset.done $0x0  }
0x54: {  	[sflag:s20] =	ssyncadd.s32 $0xFFFFC000  }
0x55: {  	[tilespmem:s19], [sflag:$0x2] =	stream.linear.gather [spmem:s8], $0x4000, $0x38;
	[tilespmem:$0x1C100] =	vst v63  }
0x56: {  	_ =	swait.ge [sflag:s20], $0x4000  }
0x57: {  	[sflag:s20] =	ssyncset.done $0x0  }
0x58: {  	[sflag:s20] =	ssyncadd.s32 $0xFFFFC000  }
0x59: {  	[hbm4b:s14+s3] =	stream.linear.scatter [tilespmem:s19], [sflag:$0x2], $0x4000, $0x38;
	[tilespmem:$0x1C100] =	vst v63  }
0x5a: {  	_ =	swait.ge [sflag:s20], $0x4000  }
0x5b: {  	[sflag:s20] =	ssyncset.done $0x0  }
0x5c: {  	[sflag:s20] =	ssyncadd.s32 $0xFFFFC000  }
0x5d: {  	[tilespmem:s19], [sflag:$0x2] =	stream.linear.gather [spmem:s9], $0x4000, $0x38;
	[tilespmem:$0x1C100] =	vst v63  }
0x5e: {  	_ =	swait.ge [sflag:s20], $0x4000  }
0x5f: {  	[sflag:s20] =	ssyncset.done $0x0  }
0x60: {  	[sflag:s20] =	ssyncadd.s32 $0xFFFFC000  }
0x61: {  	[hbm4b:s15+s3] =	stream.linear.scatter [tilespmem:s19], [sflag:$0x2], $0x4000, $0x38;
	[tilespmem:$0x1C100] =	vst v63  }
0x62: {  	_ =	swait.ge [sflag:s20], $0x4000  }
0x63: {  	[sflag:s20] =	ssyncset.done $0x0  }
0x64: {  	[sflag:s20] =	ssyncadd.s32 $0xFFFFC000  }
0x65: {  	[tilespmem:s19], [sflag:$0x2] =	stream.linear.gather [spmem:s10], $0x4000, $0x38;
	[tilespmem:$0x1C100] =	vst v63  }
0x66: {  	s24 =	sadd.s32 $0x1, s24;
	_ =	swait.ge [sflag:s20], $0x4000  }
0x67: {  	p0 =	sne.s32 s24, s17;
	[sflag:s20] =	ssyncset.done $0x0  }
.Ltmp2:
0x68: {  	[sflag:s20] =	ssyncadd.s32 $0xFFFFC000;
	(pc) =	sbr.rel @p0 .LBB2_1-.Ltmp2, $4  }
0x69: {  	[hbm4b:s16+s3] =	stream.linear.scatter [tilespmem:s19], [sflag:$0x2], $0x4000, $0x38;
	[tilespmem:$0x1C100] =	vst v63  }
0x6a: {  	_ =	swait.ge [sflag:s20], $0x4000  }
0x6b: {  	[sflag:s20] =	ssyncset.done $0x0  }
0x6c: {  	[sflag:s20] =	ssyncadd.s32 $0xFFFFC000  }
0x6d: {  	_ =	sfence.sel $0x180000  }
0x6e: {  	[bflag:$0x0] =	sbarrier.arrive $0xFFFF  }
0x6f: {  	p0 =	sne.s32 s1, $0x0;
	_ =	strace $0x9000004D  }
0x70: {  	s0 =	sadd.s32 @!p0 $0x100000, s0;
	[bflag:$0x2] =	sbarrier.arrive $0xFFFF  }
0x71: {  	[sflag:s0] =	ssyncadd.tile.s32 @!p0 $0x1;
	_ =	shalt  }
.Lfunc_end2:
_tile_overlayer_lowered:
.L_overlay_start_2:
0x72: {  	(tag) =	ssettag $0x2  }
0x73: {  	s0 =	rddreg [dreg:$0x0];
	s2 =	stileid.u32  }
0x74: {  	s1 =	rddreg [dreg:$0x1];
	p0 =	sne.s32 s2, $0x0  }
0x75: {  	s3 =	rddreg [dreg:$0x2];
	[bflag:$0x3] =	sbarrier.arrive $0xFFFF;
	s2 =	simm.s32 @!p0 $0x1C02  }
0x76: {  	[timem:s3], [sflag:s2] =	dma.local @!p0 [hbm:s0], s1  }
0x77: {  	s0 =	simm.s32 @!p0 $0x2  }
0x78: {  	_ =	swait.ge @!p0 [sflag:s0], s1  }
0x79: {  	s1 =	ssub.s32 @!p0 $0x0, s1;
	[sflag:s0] =	ssyncset.done @!p0 $0x0  }
0x7a: {  	[sflag:s0] =	ssyncadd.s32 @!p0 s1  }
0x7b: {  	[bflag:$0x3] =	sbarrier.arrive $0xFFFF  }
0x7c: {  	_ =	shalt  }

// kernel: kernel.8.cloned.1.call-start
scs
__scs_entry_jumppad:
0x0: {  	(pc) =	sbr.rel $0x88, $3  }
0x1: {  	(tag) =	ssettag $0x0;
	lr =	simm.s32 $0x1  }
0x2: {  	[smem:$0x3F9B] =	sst lr;
	_ =	strace $0xD0000000  }
0x3: {  	_ = 	snop  }
0x4: {  	_ = 	snop  }
0x5: {  	_ = 	snop  }
0x6: {  	_ = 	snop  }
0x7: {  	_ = 	snop  }
__scs_overlays_trampoline_lowered:
0x8: {  	[smem:$0x3FAA] =	sst s0  }
0x9: {  	[smem:$0x3FAB] =	sst s1  }
0xa: {  	[smem:$0x3FAC] =	sst s2  }
0xb: {  	[smem:$0x3FAD] =	sst s3  }
0xc: {  	[smem:$0x3FAE] =	sst s4  }
0xd: {  	[smem:$0x3FAF] =	sst s5  }
0xe: {  	[smem:$0x3FB0] =	sst s6  }
0xf: {  	[smem:$0x3FB1] =	sst s7  }
0x10: {  	[smem:$0x3FB2] =	sst s8  }
0x11: {  	[smem:$0x3FB3] =	sst s9;
	s0 =	simm.s32 @!p0 $0x0  }
0x12: {  	s1 =	sld [smem:$0x3F99];
	s0 =	simm.s32 @p0 $0x1  }
0x13: {  	[smem:$0x3FB4] =	sst s0;
	s0 =	simm.s32 @!p1 $0x0  }
0x14: {  	s2 =	sld [smem:$0x3F98];
	s0 =	simm.s32 @p1 $0x1  }
0x15: {  	[smem:$0x3FB5] =	sst s0;
	s0 =	simm.s32 @!p2 $0x0  }
0x16: {  	s3 =	sld [smem:$0x3FDB];
	s0 =	simm.s32 @p2 $0x1  }
0x17: {  	s4 =	simm.s32 $0x1BF5;
	[smem:$0x3FB7] =	sst s0  }
0x18: {  	s0 =	sld [smem:$0x3F9A];
	_ =	swait.ge [sflag:s4], $0x0  }
0x19: {  	s7 =	sld [smem:$0x3F9B]  }
0x1a: {  	s8 =	sadd.s32 $0xFFFFE003, lr  }
0x1b: {  	s9 =	sadd.s32 $0xFFFFFEF7, lr;
	s5 =	simm.s32 $0xFFFFFFFF;
	p2 =	slt.u32 s8, $0xFFFFF086  }
0x1c: {  	p1 =	slt.u32 s9, $0xF7A;
	s5 =	simm.s32 @!p2 $0x0  }
0x1d: {  	s5 =	simm.s32 @p1 $0x1;
	p0 =	seq.s32 s7, s2  }
0x1e: {  	s7 =	smul.u32 @!p0 $0xF7A, s2;
	p2 =	seq.s32 @!p0 s5, $0x0  }
0x1f: {  	s9 =	smul.u32 $0xF7A, s1;
	s8 =	simm.s32 @!p0 $0x1BF5;
	p2 =	por !p2, p0  }
0x20: {  	[sflag:s8] =	ssyncset.s32 @!p0 $0xFFFFF086;
	s6 =	sadd.s32 @!p0 s3, s7;
	s7 =	simm.s32 @!p0 $0x108  }
0x21: {  	s3 =	sadd.s32 s3, s9;
	s6 =	sadd.s32 @!p0 $0x88, s6;
	s7 =	simm.s32 @p2 $0x1082  }
0x22: {  	[simem:s7], [sflag:s8] =	dma.local @!p0 [hbm:s6], $0xF7A  }
0x23: {  	s9 =	sor.u32 $0xD0000000, s2;
	s6 =	simm.s32 $0x108;
	_ =	swait.ge @!p0 [sflag:s8], $0x0  }
0x24: {  	s3 =	sadd.s32 $0x88, s3;
	s6 =	simm.s32 @!p1 $0x1082;
	[sflag:s4] =	ssyncset.s32 $0xFFFFF086  }
0x25: {  	[simem:s6], [sflag:s4] =	dma.local [hbm:s3], $0xF7A  }
0x26: {  	[smem:$0x3F9B] =	sst s1;
	(tag) =	ssettag s2;
	_ =	strace s9  }
0x27: {  	s1 =	sld [smem:$0x3FAB]  }
0x28: {  	s2 =	sld [smem:$0x3FAC]  }
0x29: {  	s4 =	sld [smem:$0x3FAE]  }
0x2a: {  	p0 =	seq.s32 s5, $0x0;
	s5 =	sld [smem:$0x3FAF]  }
0x2b: {  	s6 =	sld [smem:$0x3FB0]  }
0x2c: {  	s7 =	sld [smem:$0x3FB1]  }
0x2d: {  	s3 =	simm.s32 $0x108;
	s8 =	sld [smem:$0x3FB2]  }
0x2e: {  	s3 =	simm.s32 @!p0 $0x1082;
	s9 =	sld [smem:$0x3FB3]  }
0x2f: {  	lr =	sadd.s32 s0, s3;
	s0 =	sld [smem:$0x3FAA]  }
0x30: {  	s3 =	sld [smem:$0x3FAD]  }
0x31: {  	[smem:$0x3FB6] =	sst s10  }
0x32: {  	s10 =	sld [smem:$0x3FB4];
	_ =	sdelay $0x3  }
0x33: {  	p0 =	seq.s32 s10, $0x1;
	s10 =	sld [smem:$0x3FB6];
	_ =	sdelay $0x3  }
0x34: {  	[smem:$0x3FB6] =	sst s10  }
0x35: {  	s10 =	sld [smem:$0x3FB5];
	_ =	sdelay $0x3  }
0x36: {  	p1 =	seq.s32 s10, $0x1;
	s10 =	sld [smem:$0x3FB6];
	_ =	sdelay $0x3  }
0x37: {  	[smem:$0x3FB6] =	sst s10  }
0x38: {  	s10 =	sld [smem:$0x3FB7]  }
0x39: {  	_ = 	snop;
	(pc) =	sbr.ind lr, $3  }
0x3a: {  	_ = 	snop  }
0x3b: {  	_ = 	snop  }
0x3c: {  	p2 =	seq.s32 s10, $0x1;
	s10 =	sld [smem:$0x3FB6]  }
0x3d: {  	_ =	shalt  }
0x3e: {  	_ =	shalt  }
0x3f: {  	_ =	shalt  }
0x40: {  	_ =	shalt  }
0x41: {  	_ =	shalt  }
0x42: {  	_ =	shalt  }
0x43: {  	_ =	shalt  }
0x44: {  	_ =	shalt  }
0x45: {  	_ =	shalt  }
0x46: {  	_ =	shalt  }
0x47: {  	_ =	shalt  }
0x48: {  	_ =	shalt  }
0x49: {  	_ =	shalt  }
0x4a: {  	_ =	shalt  }
0x4b: {  	_ =	shalt  }
0x4c: {  	_ =	shalt  }
0x4d: {  	_ =	shalt  }
0x4e: {  	_ =	shalt  }
0x4f: {  	_ =	shalt  }
0x50: {  	_ =	shalt  }
0x51: {  	_ =	shalt  }
0x52: {  	_ =	shalt  }
0x53: {  	_ =	shalt  }
0x54: {  	_ =	shalt  }
0x55: {  	_ =	shalt  }
0x56: {  	_ =	shalt  }
0x57: {  	_ =	shalt  }
0x58: {  	_ =	shalt  }
0x59: {  	_ =	shalt  }
0x5a: {  	_ =	shalt  }
0x5b: {  	_ =	shalt  }
0x5c: {  	_ =	shalt  }
0x5d: {  	_ =	shalt  }
0x5e: {  	_ =	shalt  }
0x5f: {  	_ =	shalt  }
0x60: {  	_ =	shalt  }
0x61: {  	_ =	shalt  }
0x62: {  	_ =	shalt  }
0x63: {  	_ =	shalt  }
0x64: {  	_ =	shalt  }
0x65: {  	_ =	shalt  }
0x66: {  	_ =	shalt  }
0x67: {  	_ =	shalt  }
0x68: {  	_ =	shalt  }
0x69: {  	_ =	shalt  }
0x6a: {  	_ =	shalt  }
0x6b: {  	_ =	shalt  }
0x6c: {  	_ =	shalt  }
0x6d: {  	_ =	shalt  }
0x6e: {  	_ =	shalt  }
0x6f: {  	_ =	shalt  }
0x70: {  	_ =	shalt  }
0x71: {  	_ =	shalt  }
0x72: {  	_ =	shalt  }
0x73: {  	_ =	shalt  }
0x74: {  	_ =	shalt  }
0x75: {  	_ =	shalt  }
0x76: {  	_ =	shalt  }
0x77: {  	_ =	shalt  }
0x78: {  	_ =	shalt  }
0x79: {  	_ =	shalt  }
0x7a: {  	_ =	shalt  }
0x7b: {  	_ =	shalt  }
0x7c: {  	_ =	shalt  }
0x7d: {  	_ =	shalt  }
0x7e: {  	_ =	shalt  }
0x7f: {  	_ =	shalt  }
0x80: {  	_ =	shalt  }
0x81: {  	_ =	shalt  }
0x82: {  	_ =	shalt  }
0x83: {  	_ =	shalt  }
0x84: {  	_ =	shalt  }
0x85: {  	_ =	shalt  }
0x86: {  	_ =	shalt  }
0x87: {  	_ =	shalt  }
.Lfunc_end0:
.L_simem_size_0:
called_computation_lowered:
.L_overlay_start_0:
0x88: {  	s2 =	sld [smem:$0x3FD9]  }
0x89: {  	s3 =	sld [smem:$0x3FFE];
	_ =	sdelay $0x1  }
0x8a: {  	s1 =	srdreg.scid  }
0x8b: {  	s0 =	sand.u32 $0x1, s1  }
0x8c: {  	s16 =	sshll.u32 s0, $0xA;
	s2 =	sadd.s32 s3, s2  }
0x8d: {  	s2 =	sadd.s32 s2, s16  }
0x8e: {  	[smem:$0x3FC2] =	sst s2  }
0x8f: {  	_ = 	snop  }
0x90: {  	(tm) =	ssettm $0x1  }
0x91: {  	s17 =	sld [smem:$0x3FFB];
	_ =	sdelay $0x3  }
0x92: {  	_ =	strace s17  }
0x93: {  	s2 =	sld [smem:$0x3FFC];
	_ =	sdelay $0x3  }
0x94: {  	_ =	strace s2  }
0x95: {  	s2 =	sld [smem:$0x3FFD];
	_ =	sdelay $0x3  }
0x96: {  	_ =	strace s2  }
0x97: {  	_ =	strace $0x8FFFFFFF  }
0x98: {  	s18 =	sld [smem:$0x3FDB];
	_ =	sdelay $0x1  }
0x99: {  	s19 =	simm.s32 $_scs_section_size  }
0x9a: {  	s4 =	simm.s32 $_size__tile_overlayer_lowered;
	s5 =	simm.s32 $_tile_overlayer_lowered  }
0x9b: {  	s22 =	simm.s32 $0x1BFF;
	s21 =	sshll.u32 s5, $0x1;
	s2 =	sadd.s32 s19, s18  }
0x9c: {  	s6 =	simm.s32 $0x0;
	s20 =	sshll.u32 s4, $0x1;
	s4 =	sadd.s32 s21, s2  }
0x9d: {  	[timem:s6], [sflag:s22] =	dma.local [hbm:s4], s20  }
0x9e: {  	_ =	swait.ge [sflag:s22], s20  }
0x9f: {  	s3 =	ssub.s32 $0x0, s20;
	[sflag:s22] =	ssyncset.done $0x0  }
0xa0: {  	[sflag:s22] =	ssyncadd.s32 s3;
	_ =	sdelay $0x1  }
0xa1: {  	s23 =	simm.s32 $0x1B8B  }
0xa2: {  	_ =	swait.ge [sflag:s23], $0x1  }
0xa3: {  	[sflag:s23] =	ssyncset.done $0x0  }
0xa4: {  	s25 =	simm.s32 $0x1B8E;
	s24 =	sld [smem:$0x3FFE];
	[sflag:s23] =	ssyncadd.s32 $0xFFFFFFFF  }
0xa5: {  	s26 =	simm.s32 $execute0_lowered;
	[smem:$0x3FD2] =	sst s25  }
0xa6: {  	s4 =	sshll.u32 s26, $0x1;
	_ =	strace $0x80000046;
	[dreg:$0x1] =	wrdreg $0xFFFFFFFF  }
0xa7: {  	s28 =	simm.s32 $_size_execute0_lowered;
	s2 =	sadd.s32 s2, s4;
	[dreg:$0x0] =	wrdreg $0x0  }
0xa8: {  	s4 =	sshll.u32 s28, $0x1;
	[dreg:$0x2] =	wrdreg s2  }
0xa9: {  	[dreg:$0x3] =	wrdreg s4  }
0xaa: {  	[dreg:$0x4] =	wrdreg $0xC0  }
0xab: {  	_ =	task [dreg:s6], $0x5FFFF  }
0xac: {  	[dreg:$0x1] =	wrdreg $0xFFFFFFFF  }
0xad: {  	[dreg:$0x0] =	wrdreg $0x60  }
0xae: {  	[dreg:$0x2] =	wrdreg s24  }
0xaf: {  	[dreg:$0x3] =	wrdreg $0x80800  }
0xb0: {  	[dreg:$0x4] =	wrdreg $0x9  }
0xb1: {  	_ =	task.clear_ibuf [dreg:s6], $0x5FFFF;
	_ =	strace $0x90000046  }
0xb2: {  	s29 =	simm.s32 $0x9;
	_ =	strace $0x80000048  }
0xb3: {  	_ =	swait.ge [sflag:s29], $0x1  }
0xb4: {  	[sflag:s29] =	ssyncadd.s32 $0xFFFFFFFF  }
0xb5: {  	_ =	strace $0x90000048  }
0xb6: {  	_ =	sfence  }
0xb7: {  	s30 =	sld [smem:$0x0];
	_ =	sdelay $0x2  }
0xb8: {  	s31 =	sshll.u32 s1, $0xD;
	s1 =	sshrl.u32 s1, $0x2  }
0xb9: {  	s3 =	sand.u32 $0x4000, s31;
	s1 =	sadd.s32 s1, s30  }
0xba: {  	s0 =	sor.u32 s3, s0;
	s1 =	sshll.u32 s1, $0x11  }
0xbb: {  	s0 =	sor.u32 s1, s0  }
0xbc: {  	s0 =	sadd.s32 $0x8F2B, s0  }
0xbd: {  	[sflag:s0] =	ssyncadd.remote.s32 $0x1  }
0xbe: {  	_ =	sfence.sel $0xFFFF  }
0xbf: {  	[dreg:$0x0] =	wrdreg $0xFFFFFFFF;
	(pc) =	sbr.abs _section_cstart, $3  }
0xc0: {  	[dreg:$0x1] =	wrdreg $0xFFFFFFFF  }
0xc1: {  	_ =	task.clear_ibuf [dreg:s6], $0x2FFFF;
	_ =	strace $0x9FFFFFFF  }
0xc2: {  	(tm) =	ssettm $0x7FFFFFFF  }
0xc3: {  	_ =	shalt  }
tec
execute0_lowered:
.L_overlay_start_1:
0x0: {  	(tag) =	ssettag $0x1  }
0x1: {  	s6 =	rddreg [dreg:$0x0]  }
0x2: {  	s1 =	rddreg [dreg:$0x1]  }
0x3: {  	s0 =	rddreg [dreg:$0x2]  }
0x4: {  	s3 =	simm.s32 $0x0;
	s4 =	srdreg.scid;
	s2 =	stileid.u32  }
0x5: {  	s19 =	simm.s32 $0x4080;
	s20 =	simm.s32 $0x1;
	s21 =	simm.s32 $0x80  }
0x6: {  	s22 =	simm.s32 $0x0;
	[smem:$0x7FF] =	sst s3;
	s7 =	sand.u32 $0x1, s4  }
0x7: {  	s5 =	sshll.u32 s2, $0x8;
	s9 =	smul.u32 $0x280, s2;
	s4 =	sadd.s32 $0xC400, s6  }
0x8: {  	s11 =	smul.u32 $0x50000, s2;
	p0 =	slt.u32 s2, $0x2;
	_ =	strace $0x80000047  }
0x9: {  	s8 =	sshll.u32 s7, $0x7;
	s10 =	smul.u32 $0x2800, s7;
	s7 =	ssub.s32 $0x2, s7  }
0xa: {  	s8 =	sor.u32 s8, s5;
	s5 =	sadd.s32 $0xCC00, s6;
	s30 =	sshrl.u32 s7, $0x1  }
0xb: {  	s31 =	sshrl.u32 s11, $0x2;
	s11 =	simm.s32 $0x4F;
	s8 =	sshrl.u32 s8, $0x3  }
0xc: {  	s29 =	sadd.s32 s9, s10;
	s17 =	ssub.s32 s7, s30;
	s11 =	simm.s32 @!p0 $0x4E  }
0xd: {  	s18 =	sadd.s32 s8, s6;
	s8 =	sshll.u32 s29, $0x4;
	s17 =	smax.u32 s17, $0x1  }
0xe: {  	s16 =	sadd.s32 s8, s6;
	s6 =	sadd.s32 s31, s1;
	s18 =	sadd.s32 $0x2600, s18  }
0xf: {  	s7 =	sadd.s32 $0x4000, s6;
	s8 =	sadd.s32 $0x8000, s6;
	s9 =	sadd.s32 $0xC000, s6  }
0x10: {  	s10 =	sadd.s32 $0x10000, s6;
	s12 =	sadd.s32 $0xD400, s16;
	s13 =	sadd.s32 $0xDC00, s16  }
0x11: {  	s14 =	sadd.s32 $0xE400, s16;
	s15 =	sadd.s32 $0xEC00, s16;
	s16 =	sadd.s32 $0xF400, s16  }
.LBB2_1:
0x12: {  	[tilespmem:s19], [sflag:$0x1] =	stream.linear.gather [hbm4b:s4+s3], $0x4000, $0x38;
	[tilespmem:$0x1C080] =	vst v63  }
0x13: {  	_ =	swait.ge [sflag:s20], $0x4000  }
0x14: {  	[sflag:s20] =	ssyncset.done $0x0  }
0x15: {  	[sflag:s20] =	ssyncadd.s32 $0xFFFFC000  }
0x16: {  	[spmem:s6] =	stream.linear.scatter [tilespmem:s19], [sflag:$0x1], $0x4000, $0x38;
	[tilespmem:$0x1C080] =	vst v63  }
0x17: {  	_ =	swait.ge [sflag:s20], $0x4000  }
0x18: {  	[sflag:s20] =	ssyncset.done $0x0  }
0x19: {  	[sflag:s20] =	ssyncadd.s32 $0xFFFFC000  }
0x1a: {  	[spmem:s7] =	stream.linear.scatter [tilespmem:s19], [sflag:$0x1], $0x4000, $0x38;
	[tilespmem:$0x1C080] =	vst v63  }
0x1b: {  	_ =	swait.ge [sflag:s20], $0x4000  }
0x1c: {  	[sflag:s20] =	ssyncset.done $0x0  }
0x1d: {  	[sflag:s20] =	ssyncadd.s32 $0xFFFFC000  }
0x1e: {  	[spmem:s8] =	stream.linear.scatter [tilespmem:s19], [sflag:$0x1], $0x4000, $0x38;
	[tilespmem:$0x1C080] =	vst v63  }
0x1f: {  	_ =	swait.ge [sflag:s20], $0x4000  }
0x20: {  	[sflag:s20] =	ssyncset.done $0x0  }
0x21: {  	[sflag:s20] =	ssyncadd.s32 $0xFFFFC000  }
0x22: {  	[spmem:s9] =	stream.linear.scatter [tilespmem:s19], [sflag:$0x1], $0x4000, $0x38;
	[tilespmem:$0x1C080] =	vst v63  }
0x23: {  	_ =	swait.ge [sflag:s20], $0x4000  }
0x24: {  	[sflag:s20] =	ssyncset.done $0x0  }
0x25: {  	[sflag:s20] =	ssyncadd.s32 $0xFFFFC000  }
0x26: {  	[spmem:s10] =	stream.linear.scatter [tilespmem:s19], [sflag:$0x1], $0x4000, $0x38;
	[tilespmem:$0x1C080] =	vst v63  }
0x27: {  	_ =	swait.ge [sflag:s20], $0x4000  }
0x28: {  	[sflag:s20] =	ssyncset.done $0x0  }
0x29: {  	[sflag:s20] =	ssyncadd.s32 $0xFFFFC000  }
0x2a: {  	[tilespmem:s21], [sflag:$0x1] =	stream.linear.gather [hbm4b:s5+s3], $0x4000, $0x38;
	[tilespmem:$0x1C080] =	vst v63  }
0x2b: {  	_ =	swait.ge [sflag:s20], $0x4000  }
0x2c: {  	[sflag:s20] =	ssyncset.done $0x0  }
0x2d: {  	[sflag:s20] =	ssyncadd.s32 $0xFFFFC000  }
0x2e: {  	[bflag:$0x0] =	sbarrier.arrive $0xFFFF  }
0x2f: {  	[tilespmem:s3], [sflag:$0x1] =	stream.linear.gather [hbm4b:s18+s3], $0x80, $0x38;
	[tilespmem:$0x1C080] =	vst v63  }
0x30: {  	p0 =	sne.s32 s11, $0x1;
	_ =	swait.ge [sflag:s20], $0x80  }
.Ltmp0:
0x31: {  	[sflag:s20] =	ssyncset.done $0x0;
	(pc) =	sbr.rel @!p0 .LBB2_3-.Ltmp0, $4  }
0x32: {  	[sflag:s20] =	ssyncadd.s32 $0xFFFFFF80  }
0x33: {  	[spmem:s1] =	stream.indirect.scatter.add.f32 [tilespmem:s21], [sflag:$0x1], $0x80, s3, s21, $0xb8;
	[tilespmem:$0x1C080] =	vst v63  }
0x34: {  	_ =	swait.ge [sflag:s20], $0x4000  }
0x35: {  	s23 =	sadd.s32 $0xFFFFFFFF, s11;
	s24 =	smov.u32 s18;
	[sflag:s20] =	ssyncset.done $0x0  }
.LBB2_2:
0x36: {  	p0 =	sne.s32 s23, $0x1;
	[sflag:s20] =	ssyncadd.s32 $0xFFFFC000;
	s24 =	sadd.s32 $0x200, s24  }
0x37: {  	[tilespmem:s3], [sflag:$0x1] =	stream.linear.gather [hbm4b:s24+s3], $0x80, $0x38;
	[tilespmem:$0x1C080] =	vst v63  }
0x38: {  	s23 =	sadd.s32 $0xFFFFFFFF, s23;
	_ =	swait.ge [sflag:s20], $0x80  }
.Ltmp1:
0x39: {  	[sflag:s20] =	ssyncset.done $0x0;
	(pc) =	sbr.rel @p0 .LBB2_2-.Ltmp1, $4  }
0x3a: {  	[sflag:s20] =	ssyncadd.s32 $0xFFFFFF80  }
0x3b: {  	[spmem:s1] =	stream.indirect.scatter.add.f32 [tilespmem:s21], [sflag:$0x1], $0x80, s3, s21, $0xb8;
	[tilespmem:$0x1C080] =	vst v63  }
0x3c: {  	_ =	swait.ge [sflag:s20], $0x4000  }
0x3d: {  	[sflag:s20] =	ssyncset.done $0x0  }
.LBB2_3:
0x3e: {  	[sflag:s20] =	ssyncadd.s32 $0xFFFFC000  }
0x3f: {  	[bflag:$0x0] =	sbarrier.arrive $0xFFFF  }
0x40: {  	[tilespmem:s19], [sflag:$0x1] =	stream.linear.gather [spmem:s6], $0x4000, $0x38;
	[tilespmem:$0x1C080] =	vst v63  }
0x41: {  	_ =	swait.ge [sflag:s20], $0x4000  }
0x42: {  	[sflag:s20] =	ssyncset.done $0x0  }
0x43: {  	[sflag:s20] =	ssyncadd.s32 $0xFFFFC000  }
0x44: {  	[hbm4b:s12+s3] =	stream.linear.scatter [tilespmem:s19], [sflag:$0x1], $0x4000, $0x38;
	[tilespmem:$0x1C080] =	vst v63  }
0x45: {  	_ =	swait.ge [sflag:s20], $0x4000  }
0x46: {  	[sflag:s20] =	ssyncset.done $0x0  }
0x47: {  	[sflag:s20] =	ssyncadd.s32 $0xFFFFC000  }
0x48: {  	[tilespmem:s19], [sflag:$0x1] =	stream.linear.gather [spmem:s7], $0x4000, $0x38;
	[tilespmem:$0x1C080] =	vst v63  }
0x49: {  	_ =	swait.ge [sflag:s20], $0x4000  }
0x4a: {  	[sflag:s20] =	ssyncset.done $0x0  }
0x4b: {  	[sflag:s20] =	ssyncadd.s32 $0xFFFFC000  }
0x4c: {  	[hbm4b:s13+s3] =	stream.linear.scatter [tilespmem:s19], [sflag:$0x1], $0x4000, $0x38;
	[tilespmem:$0x1C080] =	vst v63  }
0x4d: {  	_ =	swait.ge [sflag:s20], $0x4000  }
0x4e: {  	[sflag:s20] =	ssyncset.done $0x0  }
0x4f: {  	[sflag:s20] =	ssyncadd.s32 $0xFFFFC000  }
0x50: {  	[tilespmem:s19], [sflag:$0x1] =	stream.linear.gather [spmem:s8], $0x4000, $0x38;
	[tilespmem:$0x1C080] =	vst v63  }
0x51: {  	_ =	swait.ge [sflag:s20], $0x4000  }
0x52: {  	[sflag:s20] =	ssyncset.done $0x0  }
0x53: {  	[sflag:s20] =	ssyncadd.s32 $0xFFFFC000  }
0x54: {  	[hbm4b:s14+s3] =	stream.linear.scatter [tilespmem:s19], [sflag:$0x1], $0x4000, $0x38;
	[tilespmem:$0x1C080] =	vst v63  }
0x55: {  	_ =	swait.ge [sflag:s20], $0x4000  }
0x56: {  	[sflag:s20] =	ssyncset.done $0x0  }
0x57: {  	[sflag:s20] =	ssyncadd.s32 $0xFFFFC000  }
0x58: {  	[tilespmem:s19], [sflag:$0x1] =	stream.linear.gather [spmem:s9], $0x4000, $0x38;
	[tilespmem:$0x1C080] =	vst v63  }
0x59: {  	_ =	swait.ge [sflag:s20], $0x4000  }
0x5a: {  	[sflag:s20] =	ssyncset.done $0x0  }
0x5b: {  	[sflag:s20] =	ssyncadd.s32 $0xFFFFC000  }
0x5c: {  	[hbm4b:s15+s3] =	stream.linear.scatter [tilespmem:s19], [sflag:$0x1], $0x4000, $0x38;
	[tilespmem:$0x1C080] =	vst v63  }
0x5d: {  	_ =	swait.ge [sflag:s20], $0x4000  }
0x5e: {  	[sflag:s20] =	ssyncset.done $0x0  }
0x5f: {  	[sflag:s20] =	ssyncadd.s32 $0xFFFFC000  }
0x60: {  	[tilespmem:s19], [sflag:$0x1] =	stream.linear.gather [spmem:s10], $0x4000, $0x38;
	[tilespmem:$0x1C080] =	vst v63  }
0x61: {  	s22 =	sadd.s32 $0x1, s22;
	_ =	swait.ge [sflag:s20], $0x4000  }
0x62: {  	p0 =	sne.s32 s22, s17;
	[sflag:s20] =	ssyncset.done $0x0  }
.Ltmp2:
0x63: {  	[sflag:s20] =	ssyncadd.s32 $0xFFFFC000;
	(pc) =	sbr.rel @p0 .LBB2_1-.Ltmp2, $4  }
0x64: {  	[hbm4b:s16+s3] =	stream.linear.scatter [tilespmem:s19], [sflag:$0x1], $0x4000, $0x38;
	[tilespmem:$0x1C080] =	vst v63  }
0x65: {  	_ =	swait.ge [sflag:s20], $0x4000  }
0x66: {  	[sflag:s20] =	ssyncset.done $0x0  }
0x67: {  	[sflag:s20] =	ssyncadd.s32 $0xFFFFC000  }
0x68: {  	_ =	sfence.sel $0x180000  }
0x69: {  	[bflag:$0x0] =	sbarrier.arrive $0xFFFF  }
0x6a: {  	p0 =	sne.s32 s2, $0x0;
	_ =	strace $0x90000047  }
0x6b: {  	s0 =	sadd.s32 @!p0 $0x100000, s0;
	[bflag:$0x2] =	sbarrier.arrive $0xFFFF  }
0x6c: {  	[sflag:s0] =	ssyncadd.tile.s32 @!p0 $0x1;
	_ =	shalt  }
.Lfunc_end2:
_tile_overlayer_lowered:
.L_overlay_start_2:
0x6d: {  	(tag) =	ssettag $0x2  }
0x6e: {  	s0 =	rddreg [dreg:$0x0];
	s2 =	stileid.u32  }
0x6f: {  	s1 =	rddreg [dreg:$0x1];
	p0 =	sne.s32 s2, $0x0  }
0x70: {  	s3 =	rddreg [dreg:$0x2];
	[bflag:$0x3] =	sbarrier.arrive $0xFFFF;
	s2 =	simm.s32 @!p0 $0x1C01  }
0x71: {  	[timem:s3], [sflag:s2] =	dma.local @!p0 [hbm:s0], s1  }
0x72: {  	s0 =	simm.s32 @!p0 $0x1  }
0x73: {  	_ =	swait.ge @!p0 [sflag:s0], s1  }
0x74: {  	s1 =	ssub.s32 @!p0 $0x0, s1;
	[sflag:s0] =	ssyncset.done @!p0 $0x0  }
0x75: {  	[sflag:s0] =	ssyncadd.s32 @!p0 s1  }
0x76: {  	[bflag:$0x3] =	sbarrier.arrive $0xFFFF  }
0x77: {  	_ =	shalt  }

</sc_bundles>
